<compile_context>
chip_gen: v7x
topology: tpu7x:2x2x1
jax: 0.10.2.dev20260603
libtpu: 0.0.44.dev20260713+nightly
codegen_flags: <defaults>
</compile_context>

<pallas_src>
import jax
import jax.numpy as jnp
from jax.experimental import pallas as pl
from jax.experimental.pallas import tpu as pltpu
from jax.experimental.pallas import tpu_sc as plsc

B, L, U, F = 8, 64, 32, 2
VOCAB, EMB = 30522, 768
SPK_V, SPK_E = 16, 32
UT = 256
NEM = 7
BL = B * L
UT_IN = EMB + SPK_E

_SC_NC, _SC_NS = 2, 16
_SC_NW = _SC_NC * _SC_NS
_N_IDX = F * B * L
_ROWS_PER_W = _N_IDX // _SC_NW


def _sc_gather_body(table_hbm, idx_hbm, out_hbm, idx_v, rows_v, sem):
    wid = jax.lax.axis_index("s") * _SC_NC + jax.lax.axis_index("c")
    base = wid * _ROWS_PER_W
    pltpu.sync_copy(idx_hbm.at[pl.ds(base, _ROWS_PER_W)], idx_v)
    pltpu.async_copy(table_hbm.at[idx_v], rows_v, sem).wait()
    pltpu.sync_copy(rows_v, out_hbm.at[pl.ds(base, _ROWS_PER_W)])


def _sc_gather(table, idx):
    return pl.kernel(
        _sc_gather_body,
        out_type=jax.ShapeDtypeStruct((_N_IDX, EMB), jnp.float32),
        mesh=plsc.VectorSubcoreMesh(core_axis_name="c", subcore_axis_name="s"),
        scratch_types=[
            pltpu.VMEM((_ROWS_PER_W,), jnp.int32),
            pltpu.VMEM((_ROWS_PER_W, EMB), jnp.float32),
            pltpu.SemaphoreType.DMA,
        ],
    )(table, idx)


def _tc_body(rows_ref, spk_ref, g_ref, spkt_ref,
             buc_ref, bue_ref, bec_ref, bee_ref, bv_ref, bo_ref,
             wsp_ref, bsp_ref,
             wuc_h, wue_h, wec_h, wee_h, wv_h, wo_h, wut_h, wem_h,
             sut_ref, sem_ref, span_h,
             wuc_s, wue_s, wec_s, wee_s, wv_s, wo_s, wut_s, wem_s,
             span_s, s0, s1, s2, s3, s4, s5, s6, s7, st_sem):
    f32 = jnp.float32
    cps = [
        pltpu.make_async_copy(wuc_h, wuc_s, s0),
        pltpu.make_async_copy(wue_h, wue_s, s1),
        pltpu.make_async_copy(wec_h, wec_s, s2),
        pltpu.make_async_copy(wee_h, wee_s, s3),
        pltpu.make_async_copy(wv_h, wv_s, s4),
        pltpu.make_async_copy(wo_h, wo_s, s5),
        pltpu.make_async_copy(wut_h, wut_s, s6),
        pltpu.make_async_copy(wem_h, wem_s, s7),
    ]
    for c in cps:
        c.start()

    e0 = (rows_ref[0] + rows_ref[1]) * 0.5
    oh = (spk_ref[...]
          == jax.lax.broadcasted_iota(jnp.int32, (BL, SPK_V), 1)).astype(f32)
    spk = jnp.dot(oh, spkt_ref[...], preferred_element_type=f32)

    def ffn(cp, ws, bb):
        cp.wait()
        h = (jnp.dot(e0, ws[:EMB], preferred_element_type=f32)
             + jnp.dot(spk, ws[EMB:], preferred_element_type=f32)
             + bb[...])
        return jnp.where(h >= 0, h, 0.1 * h)

    utc = ffn(cps[0], wuc_s, buc_ref)
    ute = ffn(cps[1], wue_s, bue_ref)
    emc = ffn(cps[2], wec_s, bec_ref)
    eme = ffn(cps[3], wee_s, bee_ref)

    cps[4].wait()
    vp = jnp.dot(eme, wv_s[...], preferred_element_type=f32) + bv_ref[...]
    cps[5].wait()
    sc = jnp.dot(vp, wo_s[...], preferred_element_type=f32) + bo_ref[...]
    wspr = jnp.broadcast_to(wsp_ref[...], (L, EMB))
    spw = jax.lax.dot_general(
        sc, wspr, (((1,), (1,)), ((), ())),
        preferred_element_type=f32) + bsp_ref[0, 0]
    spw = jnp.where(spw >= 0, spw, 0.1 * spw)
    spw3 = spw.reshape(B, L, L)
    m3 = g_ref[...] != 0
    sm3 = jnp.where(m3, spw3, jnp.float32(-1.0))
    for b in range(B):
        span_s[b] = jnp.broadcast_to(sm3[b][None], (U - 1, L, L))
    st = pltpu.make_async_copy(span_s, span_h, st_sem)
    st.start()

    ones1 = jnp.ones((BL, 1), f32)

    def aug(x):
        return jnp.concatenate([x, ones1], axis=1)

    xc_ut, ye_ut = aug(utc), aug(ute)
    xc_em, ye_em = aug(emc), aug(eme)
    cps[6].wait()
    for o in range(2):
        xw = jnp.dot(xc_ut, wut_s[o], preferred_element_type=f32)
        for b in range(B):
            sut_ref[b, o] = jax.lax.dot_general(
                xw[b * L:(b + 1) * L], ye_ut[b * L:(b + 1) * L],
                (((1,), (1,)), ((), ())), preferred_element_type=f32)
    cps[7].wait()
    for o in range(NEM):
        xw = jnp.dot(xc_em, wem_s[o], preferred_element_type=f32)
        for b in range(B):
            sem_ref[b, o] = jax.lax.dot_general(
                xw[b * L:(b + 1) * L], ye_em[b * L:(b + 1) * L],
                (((1,), (1,)), ((), ())), preferred_element_type=f32)
    st.wait()


def kernel(words, speakers, pad_mask, graphs, word_table, spk_table,
           Wuc, buc, Wue, bue, Wec, bec, Wee, bee, W_ut, W_em,
           Wq, bq, Wk, bk, Wv, bv, Wo, bo, Wsp, bsp):
    f32 = jnp.float32
    idx = jnp.transpose(words[:, :, 0, :], (2, 0, 1)).reshape(_N_IDX)
    idx = idx.astype(jnp.int32)
    rows = _sc_gather(word_table, idx)
    rows2 = rows.reshape(F, BL, EMB)

    spk_i = jnp.broadcast_to(
        speakers.reshape(BL)[:, None], (BL, SPK_V)).astype(jnp.int32)
    graphs_i = graphs.astype(jnp.int32)
    b2 = lambda v: v.reshape(1, -1).astype(f32)

    hbm = pl.BlockSpec(memory_space=pltpu.MemorySpace.HBM)
    in_specs = [
        pl.BlockSpec((F, BL, EMB), lambda i: (0, 0, 0)),
        pl.BlockSpec((BL, SPK_V), lambda i: (0, 0)),
        pl.BlockSpec((B, L, L), lambda i: (0, 0, 0)),
        pl.BlockSpec((SPK_V, SPK_E), lambda i: (0, 0)),
        pl.BlockSpec((1, UT), lambda i: (0, 0)),
        pl.BlockSpec((1, UT), lambda i: (0, 0)),
        pl.BlockSpec((1, UT), lambda i: (0, 0)),
        pl.BlockSpec((1, UT), lambda i: (0, 0)),
        pl.BlockSpec((1, EMB), lambda i: (0, 0)),
        pl.BlockSpec((1, EMB), lambda i: (0, 0)),
        pl.BlockSpec((1, EMB), lambda i: (0, 0)),
        pl.BlockSpec(memory_space=pltpu.SMEM),
        hbm, hbm, hbm, hbm, hbm, hbm, hbm, hbm,
    ]
    out_specs = (
        pl.BlockSpec((B, 2, L, L), lambda i: (0, 0, 0, 0)),
        pl.BlockSpec((B, NEM, L, L), lambda i: (0, 0, 0, 0)),
        pl.BlockSpec(memory_space=pltpu.MemorySpace.HBM),
    )
    sut_k, sem_k, span_k = pl.pallas_call(
        _tc_body,
        grid=(1,),
        in_specs=in_specs,
        out_specs=out_specs,
        out_shape=(
            jax.ShapeDtypeStruct((B, 2, L, L), f32),
            jax.ShapeDtypeStruct((B, NEM, L, L), f32),
            jax.ShapeDtypeStruct((B, U - 1, L, L), f32),
        ),
        scratch_shapes=[
            pltpu.VMEM((UT_IN, UT), f32),
            pltpu.VMEM((UT_IN, UT), f32),
            pltpu.VMEM((UT_IN, UT), f32),
            pltpu.VMEM((UT_IN, UT), f32),
            pltpu.VMEM((UT, EMB), f32),
            pltpu.VMEM((EMB, EMB), f32),
            pltpu.VMEM((2, UT + 1, UT + 1), f32),
            pltpu.VMEM((NEM, UT + 1, UT + 1), f32),
            pltpu.VMEM((B, U - 1, L, L), f32),
            pltpu.SemaphoreType.DMA,
            pltpu.SemaphoreType.DMA,
            pltpu.SemaphoreType.DMA,
            pltpu.SemaphoreType.DMA,
            pltpu.SemaphoreType.DMA,
            pltpu.SemaphoreType.DMA,
            pltpu.SemaphoreType.DMA,
            pltpu.SemaphoreType.DMA,
            pltpu.SemaphoreType.DMA,
        ],
    )(rows2, spk_i, graphs_i, spk_table,
      b2(buc), b2(bue), b2(bec), b2(bee), b2(bv), b2(bo),
      Wsp.reshape(1, EMB), bsp.reshape(1, 1),
      Wuc, Wue, Wec, Wee, Wv, Wo, W_ut, W_em)
    s_ut = jnp.transpose(sut_k, (0, 2, 3, 1))
    s_em = jnp.transpose(sem_k, (0, 2, 3, 1))
    s_span = jnp.transpose(span_k, (0, 2, 3, 1))
    return s_ut, s_em, s_span

# --- scband reference (transcript-rebuilt; emitter-appended) ---
"""Pipeline reference for scband-subtask1-model-9483287790255 (READ-ONLY COPY).

The authoritative reference and input builder live on the scoring server;
editing this copy changes nothing except your own understanding.
"""

import jax, jax.numpy as jnp
import numpy as np

B, L, U, F = 8, 64, 32, 2
VOCAB, EMB = 30522, 768
SPK_V, SPK_E = 16, 32
UT = 256
NEM = 7
UT_IN = EMB + SPK_E


def _ffn(x, W, b):
    return jax.nn.leaky_relu(x @ W + b, 0.1)


def _biaffine(x, y, W):
    ones = jnp.ones(x.shape[:-1] + (1,), x.dtype)
    x1 = jnp.concatenate([x, ones], axis=-1)
    y1 = jnp.concatenate([y, ones], axis=-1)
    s = jnp.einsum('bxi,oij,byj->boxy', x1, W, y1)
    return jnp.transpose(s, (0, 2, 3, 1))


def setup_inputs(seed: int = 0):
    key = jax.random.key(seed)
    ks = jax.random.split(key, 26)
    inp = {}
    inp['words'] = jax.random.randint(ks[0], (B, L, U, F), 0, VOCAB)
    inp['speakers'] = jax.random.randint(ks[1], (B, L), 0, SPK_V)
    inp['pad_mask'] = jnp.ones((B, L), dtype=bool)
    inp['graphs'] = jax.random.randint(ks[2], (B, L, L), 0, 20) == 0
    inp['word_table'] = jax.random.normal(ks[3], (VOCAB, EMB)) * 0.02
    inp['spk_table'] = jax.random.normal(ks[4], (SPK_V, SPK_E)) * 0.02
    inp['Wuc'] = jax.random.normal(ks[5], (UT_IN, UT)) * 0.02
    inp['buc'] = jnp.zeros((UT,))
    inp['Wue'] = jax.random.normal(ks[6], (UT_IN, UT)) * 0.02
    inp['bue'] = jnp.zeros((UT,))
    inp['Wec'] = jax.random.normal(ks[7], (UT_IN, UT)) * 0.02
    inp['bec'] = jnp.zeros((UT,))
    inp['Wee'] = jax.random.normal(ks[8], (UT_IN, UT)) * 0.02
    inp['bee'] = jnp.zeros((UT,))
    inp['W_ut'] = jax.random.normal(ks[9], (2, UT + 1, UT + 1)) * 0.02
    inp['W_em'] = jax.random.normal(ks[10], (NEM, UT + 1, UT + 1)) * 0.02
    inp['Wq'] = jax.random.normal(ks[11], (EMB, EMB)) * 0.02
    inp['bq'] = jnp.zeros((EMB,))
    inp['Wk'] = jax.random.normal(ks[12], (UT, EMB)) * 0.02
    inp['bk'] = jnp.zeros((EMB,))
    inp['Wv'] = jax.random.normal(ks[13], (UT, EMB)) * 0.02
    inp['bv'] = jnp.zeros((EMB,))
    inp['Wo'] = jax.random.normal(ks[14], (EMB, EMB)) * 0.02
    inp['bo'] = jnp.zeros((EMB,))
    inp['Wsp'] = jax.random.normal(ks[15], (EMB, 1)) * 0.02
    inp['bsp'] = jnp.zeros((1,))
    return inp


def reference(words, speakers, pad_mask, graphs, word_table, spk_table, Wuc, buc, Wue, bue, Wec, bec, Wee, bee, W_ut, W_em, Wq, bq, Wk, bk, Wv, bv, Wo, bo, Wsp, bsp):
    # encode: subword-piece embedding lookup + mean pool over fix_len
    we_full = jnp.take(word_table, words, axis=0).mean(axis=3)  # [B, L, U, EMB]
    spk = jnp.take(spk_table, speakers, axis=0)                 # [B, L, SPK_E]
    ut_embed = jnp.concatenate([we_full[:, :, 0], spk], axis=-1)  # [B, L, UT_IN]
    word_embed = we_full[:, :, 1:]                              # [B, L, U-1, EMB]
    # decode
    ut_cause = _ffn(ut_embed, Wuc, buc)
    ut_effect = _ffn(ut_embed, Wue, bue)
    s_ut = _biaffine(ut_cause, ut_effect, W_ut)   # [B, L, L, 2]
    em_cause = _ffn(ut_embed, Wec, bec)
    em_effect = _ffn(ut_embed, Wee, bee)
    s_em = _biaffine(em_cause, em_effect, W_em)   # [B, L, L, NEM]
    pair_mask = pad_mask[:, :, None] & pad_mask[:, None, :]
    ut_mask = graphs & pair_mask
    qp = word_embed @ Wq + bq                     # [B, L, U-1, EMB]
    kp = em_effect @ Wk + bk                      # [B, L, EMB]
    vp = em_effect @ Wv + bv                      # [B, L, EMB]
    logits = jnp.einsum('bcue,bfe->bcfu', qp, kp) / jnp.sqrt(float(EMB))
    attn = jax.nn.softmax(logits[..., None], axis=-1)  # [B, L, L, U-1, 1], singleton key axis
    ctx = attn[:, :, 0] @ vp[:, :, None, :]       # [B, L, U-1, EMB]
    scores = ctx @ Wo + bo                        # [B, L, U-1, EMB]
    span_bc = _ffn(scores, Wsp, bsp)[..., 0]      # [B, L, U-1]
    s_span = jnp.where(ut_mask[:, :, :, None], span_bc[:, :, None, :].astype(jnp.float32), jnp.float32(-1.0))
    return s_ut, s_em, s_span

if __name__ == "__main__":
    import jax
    _d = setup_inputs()
    print(jax.jit(kernel)(*tuple(_d.values())))

</pallas_src>

<mosaic_0001>
#map = affine_map<(d0, d1) -> (0, 0)>
#map1 = affine_map<(d0, d1) -> (0)>
module attributes {stable_mosaic.version = 14 : i64} {
  func.func @_sc_gather_body(%arg0: i32, %arg1: i32, %arg2: memref<30522x768xf32, #tpu.memory_space<hbm>>, %arg3: memref<1024xi32, #tpu.memory_space<hbm>>, %arg4: memref<1024x768xf32, #tpu.memory_space<hbm>>, %arg5: memref<32xi32, #tpu.memory_space<vmem>>, %arg6: memref<32x768xf32, #tpu.memory_space<vmem>>, %arg7: memref<!tpu.dma_semaphore, #tpu.memory_space<semaphore_mem>>) attributes {dimension_semantics = [#tpu.dimension_semantics<core_parallel>, #tpu.dimension_semantics<subcore_parallel>], iteration_bounds = array<i64: 2, 16>, scalar_prefetch = 0 : i64, scratch_operands = 3 : i64, tpu.core_type = #tpu.core_type<sc_vector_subcore>, window_params = [{transform_indices = #map}, {transform_indices = #map1}, {transform_indices = #map}]} {
    %mul3A = arith.constant 2 : i32
    %mul3A_0 = arith.muli %arg1, %mul3A : i32
    %add3A = arith.addi %mul3A_0, %arg0 : i32
    %mul3A_1 = arith.constant 32 : i32
    %mul3A_2 = arith.muli %add3A, %mul3A_1 : i32
    "tpu.region"() ({
      %run_scoped3A = tpu.sem_alloc : memref<!tpu.dma_semaphore, #tpu.memory_space<semaphore_mem>>
      %dma_start3A_7 = tpu.memref_slice %arg3[%mul3A_2] : memref<1024xi32, #tpu.memory_space<hbm>> -> memref<32xi32, #tpu.memory_space<hbm>>
      %dma_start3A_8 = tpu.memref_slice %arg3[%mul3A_2] : memref<1024xi32, #tpu.memory_space<hbm>> -> memref<32xi32, #tpu.memory_space<hbm>>
      tpu.enqueue_dma source(%dma_start3A_8 : memref<32xi32, #tpu.memory_space<hbm>>) target(%arg5 : memref<32xi32, #tpu.memory_space<vmem>>) target_semaphore(%run_scoped3A : memref<!tpu.dma_semaphore, #tpu.memory_space<semaphore_mem>>)
      %dma_wait3A_9 = tpu.memref_slice %arg3[%mul3A_2] : memref<1024xi32, #tpu.memory_space<hbm>> -> memref<32xi32, #tpu.memory_space<hbm>>
      %dma_wait3A_10 = tpu.memref_slice %arg3[%mul3A_2] : memref<1024xi32, #tpu.memory_space<hbm>> -> memref<32xi32, #tpu.memory_space<hbm>>
      tpu.wait_dma2 semaphore(%run_scoped3A : memref<!tpu.dma_semaphore, #tpu.memory_space<semaphore_mem>>) src(%dma_wait3A_10 : memref<32xi32, #tpu.memory_space<hbm>>) dst(%arg5 : memref<32xi32, #tpu.memory_space<vmem>>)
      tpu.yield
    }) : () -> ()
    %dma_start3A = arith.constant 0 : i32
    %dma_start3A_3 = arith.constant 0 : i32
    %dma_start3A_4 = tpu.memref_slice %arg2[%dma_start3A, %dma_start3A_3] : memref<30522x768xf32, #tpu.memory_space<hbm>> -> memref<30522x768xf32, #tpu.memory_space<hbm>>
    tpu.enqueue_indirect_dma source(%dma_start3A_4 : memref<30522x768xf32, #tpu.memory_space<hbm>>) target(%arg6 : memref<32x768xf32, #tpu.memory_space<vmem>>) offsets(%arg5 : memref<32xi32, #tpu.memory_space<vmem>>) semaphore(%arg7 : memref<!tpu.dma_semaphore, #tpu.memory_space<semaphore_mem>>)
    %dma_wait3A = arith.constant 0 : i32
    %dma_wait3A_5 = arith.constant 0 : i32
    %dma_wait3A_6 = tpu.memref_slice %arg2[%dma_wait3A, %dma_wait3A_5] : memref<30522x768xf32, #tpu.memory_space<hbm>> -> memref<30522x768xf32, #tpu.memory_space<hbm>>
    tpu.wait_indirect_dma semaphore(%arg7 : memref<!tpu.dma_semaphore, #tpu.memory_space<semaphore_mem>>) src(%dma_wait3A_6 : memref<30522x768xf32, #tpu.memory_space<hbm>>) dst(%arg6 : memref<32x768xf32, #tpu.memory_space<vmem>>)
    "tpu.region"() ({
      %run_scoped3A = tpu.sem_alloc : memref<!tpu.dma_semaphore, #tpu.memory_space<semaphore_mem>>
      %dma_start3A_7 = arith.constant 0 : i32
      %dma_start3A_8 = tpu.memref_slice %arg4[%mul3A_2, %dma_start3A_7] : memref<1024x768xf32, #tpu.memory_space<hbm>> -> memref<32x768xf32, #tpu.memory_space<hbm>>
      %dma_start3A_9 = arith.constant 0 : i32
      %dma_start3A_10 = tpu.memref_slice %arg4[%mul3A_2, %dma_start3A_9] : memref<1024x768xf32, #tpu.memory_space<hbm>> -> memref<32x768xf32, #tpu.memory_space<hbm>>
      tpu.enqueue_dma source(%arg6 : memref<32x768xf32, #tpu.memory_space<vmem>>) target(%dma_start3A_10 : memref<32x768xf32, #tpu.memory_space<hbm>>) target_semaphore(%run_scoped3A : memref<!tpu.dma_semaphore, #tpu.memory_space<semaphore_mem>>)
      %dma_wait3A_11 = arith.constant 0 : i32
      %dma_wait3A_12 = tpu.memref_slice %arg4[%mul3A_2, %dma_wait3A_11] : memref<1024x768xf32, #tpu.memory_space<hbm>> -> memref<32x768xf32, #tpu.memory_space<hbm>>
      %dma_wait3A_13 = arith.constant 0 : i32
      %dma_wait3A_14 = tpu.memref_slice %arg4[%mul3A_2, %dma_wait3A_13] : memref<1024x768xf32, #tpu.memory_space<hbm>> -> memref<32x768xf32, #tpu.memory_space<hbm>>
      tpu.wait_dma2 semaphore(%run_scoped3A : memref<!tpu.dma_semaphore, #tpu.memory_space<semaphore_mem>>) src(%arg6 : memref<32x768xf32, #tpu.memory_space<vmem>>) dst(%dma_wait3A_14 : memref<32x768xf32, #tpu.memory_space<hbm>>)
      tpu.yield
    }) : () -> ()
    return
  }
}

module attributes {stable_mosaic.version = 14 : i64} {
  func.func @_tc_body(%arg0: i32, %arg1: memref<2x512x768xf32, #tpu.memory_space<vmem>>, %arg2: memref<512x16xi32, #tpu.memory_space<vmem>>, %arg3: memref<8x64x64xi32, #tpu.memory_space<vmem>>, %arg4: memref<16x32xf32, #tpu.memory_space<vmem>>, %arg5: memref<1x256xf32, #tpu.memory_space<vmem>>, %arg6: memref<1x256xf32, #tpu.memory_space<vmem>>, %arg7: memref<1x256xf32, #tpu.memory_space<vmem>>, %arg8: memref<1x256xf32, #tpu.memory_space<vmem>>, %arg9: memref<1x768xf32, #tpu.memory_space<vmem>>, %arg10: memref<1x768xf32, #tpu.memory_space<vmem>>, %arg11: memref<1x768xf32, #tpu.memory_space<vmem>>, %arg12: memref<1x1xf32, #tpu.memory_space<smem>>, %arg13: memref<800x256xf32, #tpu.memory_space<hbm>>, %arg14: memref<800x256xf32, #tpu.memory_space<hbm>>, %arg15: memref<800x256xf32, #tpu.memory_space<hbm>>, %arg16: memref<800x256xf32, #tpu.memory_space<hbm>>, %arg17: memref<256x768xf32, #tpu.memory_space<hbm>>, %arg18: memref<768x768xf32, #tpu.memory_space<hbm>>, %arg19: memref<2x257x257xf32, #tpu.memory_space<hbm>>, %arg20: memref<7x257x257xf32, #tpu.memory_space<hbm>>, %arg21: memref<8x2x64x64xf32, #tpu.memory_space<vmem>>, %arg22: memref<8x7x64x64xf32, #tpu.memory_space<vmem>>, %arg23: memref<8x31x64x64xf32, #tpu.memory_space<hbm>>, %arg24: memref<800x256xf32, #tpu.memory_space<vmem>>, %arg25: memref<800x256xf32, #tpu.memory_space<vmem>>, %arg26: memref<800x256xf32, #tpu.memory_space<vmem>>, %arg27: memref<800x256xf32, #tpu.memory_space<vmem>>, %arg28: memref<256x768xf32, #tpu.memory_space<vmem>>, %arg29: memref<768x768xf32, #tpu.memory_space<vmem>>, %arg30: memref<2x257x257xf32, #tpu.memory_space<vmem>>, %arg31: memref<7x257x257xf32, #tpu.memory_space<vmem>>, %arg32: memref<8x31x64x64xf32, #tpu.memory_space<vmem>>, %arg33: memref<!tpu.dma_semaphore, #tpu.memory_space<semaphore_mem>>, %arg34: memref<!tpu.dma_semaphore, #tpu.memory_space<semaphore_mem>>, %arg35: memref<!tpu.dma_semaphore, #tpu.memory_space<semaphore_mem>>, %arg36: memref<!tpu.dma_semaphore, #tpu.memory_space<semaphore_mem>>, %arg37: memref<!tpu.dma_semaphore, #tpu.memory_space<semaphore_mem>>, %arg38: memref<!tpu.dma_semaphore, #tpu.memory_space<semaphore_mem>>, %arg39: memref<!tpu.dma_semaphore, #tpu.memory_space<semaphore_mem>>, %arg40: memref<!tpu.dma_semaphore, #tpu.memory_space<semaphore_mem>>, %arg41: memref<!tpu.dma_semaphore, #tpu.memory_space<semaphore_mem>>) attributes {dimension_semantics = [#tpu.dimension_semantics<arbitrary>], iteration_bounds = array<i64: 1>, scalar_prefetch = 0 : i64, scratch_operands = 18 : i64, tpu.core_type = #tpu.core_type<tc>, window_params = [{pipeline_mode = #tpu.pipeline_mode<synchronous>, transform_indices = @transform_0, window_bounds = array<i64: 2, 512, 768>}, {pipeline_mode = #tpu.pipeline_mode<synchronous>, transform_indices = @transform_1, window_bounds = array<i64: 512, 16>}, {pipeline_mode = #tpu.pipeline_mode<synchronous>, transform_indices = @transform_2, window_bounds = array<i64: 8, 64, 64>}, {pipeline_mode = #tpu.pipeline_mode<synchronous>, transform_indices = @transform_3, window_bounds = array<i64: 16, 32>}, {pipeline_mode = #tpu.pipeline_mode<synchronous>, transform_indices = @transform_4, window_bounds = array<i64: 1, 256>}, {pipeline_mode = #tpu.pipeline_mode<synchronous>, transform_indices = @transform_5, window_bounds = array<i64: 1, 256>}, {pipeline_mode = #tpu.pipeline_mode<synchronous>, transform_indices = @transform_6, window_bounds = array<i64: 1, 256>}, {pipeline_mode = #tpu.pipeline_mode<synchronous>, transform_indices = @transform_7, window_bounds = array<i64: 1, 256>}, {pipeline_mode = #tpu.pipeline_mode<synchronous>, transform_indices = @transform_8, window_bounds = array<i64: 1, 768>}, {pipeline_mode = #tpu.pipeline_mode<synchronous>, transform_indices = @transform_9, window_bounds = array<i64: 1, 768>}, {pipeline_mode = #tpu.pipeline_mode<synchronous>, transform_indices = @transform_10, window_bounds = array<i64: 1, 768>}, {transform_indices = @transform_11, window_bounds = array<i64: 1, 1>}, {}, {}, {}, {}, {}, {}, {}, {}, {pipeline_mode = #tpu.pipeline_mode<synchronous>, transform_indices = @transform_20, window_bounds = array<i64: 8, 2, 64, 64>}, {pipeline_mode = #tpu.pipeline_mode<synchronous>, transform_indices = @transform_21, window_bounds = array<i64: 8, 7, 64, 64>}, {}]} {
    tpu.enqueue_dma source(%arg13 : memref<800x256xf32, #tpu.memory_space<hbm>>) target(%arg24 : memref<800x256xf32, #tpu.memory_space<vmem>>) target_semaphore(%arg33 : memref<!tpu.dma_semaphore, #tpu.memory_space<semaphore_mem>>)
    tpu.enqueue_dma source(%arg14 : memref<800x256xf32, #tpu.memory_space<hbm>>) target(%arg25 : memref<800x256xf32, #tpu.memory_space<vmem>>) target_semaphore(%arg34 : memref<!tpu.dma_semaphore, #tpu.memory_space<semaphore_mem>>)
    tpu.enqueue_dma source(%arg15 : memref<800x256xf32, #tpu.memory_space<hbm>>) target(%arg26 : memref<800x256xf32, #tpu.memory_space<vmem>>) target_semaphore(%arg35 : memref<!tpu.dma_semaphore, #tpu.memory_space<semaphore_mem>>)
    tpu.enqueue_dma source(%arg16 : memref<800x256xf32, #tpu.memory_space<hbm>>) target(%arg27 : memref<800x256xf32, #tpu.memory_space<vmem>>) target_semaphore(%arg36 : memref<!tpu.dma_semaphore, #tpu.memory_space<semaphore_mem>>)
    tpu.enqueue_dma source(%arg17 : memref<256x768xf32, #tpu.memory_space<hbm>>) target(%arg28 : memref<256x768xf32, #tpu.memory_space<vmem>>) target_semaphore(%arg37 : memref<!tpu.dma_semaphore, #tpu.memory_space<semaphore_mem>>)
    tpu.enqueue_dma source(%arg18 : memref<768x768xf32, #tpu.memory_space<hbm>>) target(%arg29 : memref<768x768xf32, #tpu.memory_space<vmem>>) target_semaphore(%arg38 : memref<!tpu.dma_semaphore, #tpu.memory_space<semaphore_mem>>)
    tpu.enqueue_dma source(%arg19 : memref<2x257x257xf32, #tpu.memory_space<hbm>>) target(%arg30 : memref<2x257x257xf32, #tpu.memory_space<vmem>>) target_semaphore(%arg39 : memref<!tpu.dma_semaphore, #tpu.memory_space<semaphore_mem>>)
    tpu.enqueue_dma source(%arg20 : memref<7x257x257xf32, #tpu.memory_space<hbm>>) target(%arg31 : memref<7x257x257xf32, #tpu.memory_space<vmem>>) target_semaphore(%arg40 : memref<!tpu.dma_semaphore, #tpu.memory_space<semaphore_mem>>)
    %get3A = arith.constant 0 : index
    %get3A_0 = arith.constant 0 : index
    %get3A_1 = arith.constant 0 : index
    %get3A_2 = vector.load %arg1[%get3A, %get3A_0, %get3A_1] : memref<2x512x768xf32, #tpu.memory_space<vmem>>, vector<1x512x768xf32>
    %get3A_3 = vector.shape_cast %get3A_2 : vector<1x512x768xf32> to vector<512x768xf32>
    %get3A_4 = arith.constant 1 : index
    %get3A_5 = arith.constant 0 : index
    %get3A_6 = arith.constant 0 : index
    %get3A_7 = vector.load %arg1[%get3A_4, %get3A_5, %get3A_6] : memref<2x512x768xf32, #tpu.memory_space<vmem>>, vector<1x512x768xf32>
    %get3A_8 = vector.shape_cast %get3A_7 : vector<1x512x768xf32> to vector<512x768xf32>
    %add3A = arith.addf %get3A_3, %get3A_8 : vector<512x768xf32>
    %mul3A = arith.constant 5.000000e-01 : f32
    %mul3A_9 = vector.broadcast %mul3A : f32 to vector<512x768xf32>
    %mul3A_10 = arith.mulf %add3A, %mul3A_9 : vector<512x768xf32>
    %get3A_11 = arith.constant 0 : index
    %get3A_12 = arith.constant 0 : index
    %get3A_13 = vector.load %arg2[%get3A_11, %get3A_12] : memref<512x16xi32, #tpu.memory_space<vmem>>, vector<512x16xi32>
    %iota3A = tpu.iota {dimensions = array<i32: 1>} : vector<512x16xi32>
    %eq3A = arith.cmpi eq, %get3A_13, %iota3A : vector<512x16xi32>
    %convert_element_type3A = arith.extui %eq3A : vector<512x16xi1> to vector<512x16xi32>
    %convert_element_type3A_14 = arith.sitofp %convert_element_type3A : vector<512x16xi32> to vector<512x16xf32>
    %get3A_15 = arith.constant 0 : index
    %get3A_16 = arith.constant 0 : index
    %get3A_17 = vector.load %arg4[%get3A_15, %get3A_16] : memref<16x32xf32, #tpu.memory_space<vmem>>, vector<16x32xf32>
    %dot_general3A = arith.constant dense<0.000000e+00> : vector<512x32xf32>
    %dot_general3A_18 = tpu.matmul %convert_element_type3A_14, %get3A_17, %dot_general3A {dimension_numbers = #tpu.dot_dimension_numbers<[1], [0], [0], [1], [0, 0, 1, 1], [], []>, transpose_lhs_hint = false} : vector<512x16xf32>, vector<16x32xf32>, vector<512x32xf32> -> vector<512x32xf32>
    tpu.wait_dma2 semaphore(%arg33 : memref<!tpu.dma_semaphore, #tpu.memory_space<semaphore_mem>>) src(%arg13 : memref<800x256xf32, #tpu.memory_space<hbm>>) dst(%arg24 : memref<800x256xf32, #tpu.memory_space<vmem>>)
    %get3A_19 = arith.constant 0 : index
    %get3A_20 = arith.constant 0 : index
    %get3A_21 = vector.load %arg24[%get3A_19, %get3A_20] : memref<800x256xf32, #tpu.memory_space<vmem>>, vector<768x256xf32>
    %dot_general3A_22 = arith.constant dense<0.000000e+00> : vector<512x256xf32>
    %dot_general3A_23 = tpu.matmul %mul3A_10, %get3A_21, %dot_general3A_22 {dimension_numbers = #tpu.dot_dimension_numbers<[1], [0], [0], [1], [0, 0, 1, 1], [], []>, transpose_lhs_hint = false} : vector<512x768xf32>, vector<768x256xf32>, vector<512x256xf32> -> vector<512x256xf32>
    %get3A_24 = arith.constant 768 : index
    %get3A_25 = arith.constant 0 : index
    %get3A_26 = vector.load %arg24[%get3A_24, %get3A_25] : memref<800x256xf32, #tpu.memory_space<vmem>>, vector<32x256xf32>
    %dot_general3A_27 = arith.constant dense<0.000000e+00> : vector<512x256xf32>
    %dot_general3A_28 = tpu.matmul %dot_general3A_18, %get3A_26, %dot_general3A_27 {dimension_numbers = #tpu.dot_dimension_numbers<[1], [0], [0], [1], [0, 0, 1, 1], [], []>, transpose_lhs_hint = false} : vector<512x32xf32>, vector<32x256xf32>, vector<512x256xf32> -> vector<512x256xf32>
    %add3A_29 = arith.addf %dot_general3A_23, %dot_general3A_28 : vector<512x256xf32>
    %get3A_30 = arith.constant 0 : index
    %get3A_31 = arith.constant 0 : index
    %get3A_32 = vector.load %arg5[%get3A_30, %get3A_31] : memref<1x256xf32, #tpu.memory_space<vmem>>, vector<1x256xf32>
    %add3A_33 = vector.broadcast %get3A_32 : vector<1x256xf32> to vector<512x256xf32>
    %add3A_34 = arith.addf %add3A_29, %add3A_33 : vector<512x256xf32>
    %ge3A = arith.constant 0.000000e+00 : f32
    %ge3A_35 = vector.broadcast %ge3A : f32 to vector<512x256xf32>
    %ge3A_36 = arith.cmpf oge, %add3A_34, %ge3A_35 : vector<512x256xf32>
    %mul3A_37 = arith.constant 1.000000e-01 : f32
    %mul3A_38 = vector.broadcast %mul3A_37 : f32 to vector<512x256xf32>
    %mul3A_39 = arith.mulf %mul3A_38, %add3A_34 : vector<512x256xf32>
    %select_n3A = arith.select %ge3A_36, %add3A_34, %mul3A_39 : vector<512x256xi1>, vector<512x256xf32>
    tpu.wait_dma2 semaphore(%arg34 : memref<!tpu.dma_semaphore, #tpu.memory_space<semaphore_mem>>) src(%arg14 : memref<800x256xf32, #tpu.memory_space<hbm>>) dst(%arg25 : memref<800x256xf32, #tpu.memory_space<vmem>>)
    %get3A_40 = arith.constant 0 : index
    %get3A_41 = arith.constant 0 : index
    %get3A_42 = vector.load %arg25[%get3A_40, %get3A_41] : memref<800x256xf32, #tpu.memory_space<vmem>>, vector<768x256xf32>
    %dot_general3A_43 = arith.constant dense<0.000000e+00> : vector<512x256xf32>
    %dot_general3A_44 = tpu.matmul %mul3A_10, %get3A_42, %dot_general3A_43 {dimension_numbers = #tpu.dot_dimension_numbers<[1], [0], [0], [1], [0, 0, 1, 1], [], []>, transpose_lhs_hint = false} : vector<512x768xf32>, vector<768x256xf32>, vector<512x256xf32> -> vector<512x256xf32>
    %get3A_45 = arith.constant 768 : index
    %get3A_46 = arith.constant 0 : index
    %get3A_47 = vector.load %arg25[%get3A_45, %get3A_46] : memref<800x256xf32, #tpu.memory_space<vmem>>, vector<32x256xf32>
    %dot_general3A_48 = arith.constant dense<0.000000e+00> : vector<512x256xf32>
    %dot_general3A_49 = tpu.matmul %dot_general3A_18, %get3A_47, %dot_general3A_48 {dimension_numbers = #tpu.dot_dimension_numbers<[1], [0], [0], [1], [0, 0, 1, 1], [], []>, transpose_lhs_hint = false} : vector<512x32xf32>, vector<32x256xf32>, vector<512x256xf32> -> vector<512x256xf32>
    %add3A_50 = arith.addf %dot_general3A_44, %dot_general3A_49 : vector<512x256xf32>
    %get3A_51 = arith.constant 0 : index
    %get3A_52 = arith.constant 0 : index
    %get3A_53 = vector.load %arg6[%get3A_51, %get3A_52] : memref<1x256xf32, #tpu.memory_space<vmem>>, vector<1x256xf32>
    %add3A_54 = vector.broadcast %get3A_53 : vector<1x256xf32> to vector<512x256xf32>
    %add3A_55 = arith.addf %add3A_50, %add3A_54 : vector<512x256xf32>
    %ge3A_56 = arith.constant 0.000000e+00 : f32
    %ge3A_57 = vector.broadcast %ge3A_56 : f32 to vector<512x256xf32>
    %ge3A_58 = arith.cmpf oge, %add3A_55, %ge3A_57 : vector<512x256xf32>
    %mul3A_59 = arith.constant 1.000000e-01 : f32
    %mul3A_60 = vector.broadcast %mul3A_59 : f32 to vector<512x256xf32>
    %mul3A_61 = arith.mulf %mul3A_60, %add3A_55 : vector<512x256xf32>
    %select_n3A_62 = arith.select %ge3A_58, %add3A_55, %mul3A_61 : vector<512x256xi1>, vector<512x256xf32>
    tpu.wait_dma2 semaphore(%arg35 : memref<!tpu.dma_semaphore, #tpu.memory_space<semaphore_mem>>) src(%arg15 : memref<800x256xf32, #tpu.memory_space<hbm>>) dst(%arg26 : memref<800x256xf32, #tpu.memory_space<vmem>>)
    %get3A_63 = arith.constant 0 : index
    %get3A_64 = arith.constant 0 : index
    %get3A_65 = vector.load %arg26[%get3A_63, %get3A_64] : memref<800x256xf32, #tpu.memory_space<vmem>>, vector<768x256xf32>
    %dot_general3A_66 = arith.constant dense<0.000000e+00> : vector<512x256xf32>
    %dot_general3A_67 = tpu.matmul %mul3A_10, %get3A_65, %dot_general3A_66 {dimension_numbers = #tpu.dot_dimension_numbers<[1], [0], [0], [1], [0, 0, 1, 1], [], []>, transpose_lhs_hint = false} : vector<512x768xf32>, vector<768x256xf32>, vector<512x256xf32> -> vector<512x256xf32>
    %get3A_68 = arith.constant 768 : index
    %get3A_69 = arith.constant 0 : index
    %get3A_70 = vector.load %arg26[%get3A_68, %get3A_69] : memref<800x256xf32, #tpu.memory_space<vmem>>, vector<32x256xf32>
    %dot_general3A_71 = arith.constant dense<0.000000e+00> : vector<512x256xf32>
    %dot_general3A_72 = tpu.matmul %dot_general3A_18, %get3A_70, %dot_general3A_71 {dimension_numbers = #tpu.dot_dimension_numbers<[1], [0], [0], [1], [0, 0, 1, 1], [], []>, transpose_lhs_hint = false} : vector<512x32xf32>, vector<32x256xf32>, vector<512x256xf32> -> vector<512x256xf32>
    %add3A_73 = arith.addf %dot_general3A_67, %dot_general3A_72 : vector<512x256xf32>
    %get3A_74 = arith.constant 0 : index
    %get3A_75 = arith.constant 0 : index
    %get3A_76 = vector.load %arg7[%get3A_74, %get3A_75] : memref<1x256xf32, #tpu.memory_space<vmem>>, vector<1x256xf32>
    %add3A_77 = vector.broadcast %get3A_76 : vector<1x256xf32> to vector<512x256xf32>
    %add3A_78 = arith.addf %add3A_73, %add3A_77 : vector<512x256xf32>
    %ge3A_79 = arith.constant 0.000000e+00 : f32
    %ge3A_80 = vector.broadcast %ge3A_79 : f32 to vector<512x256xf32>
    %ge3A_81 = arith.cmpf oge, %add3A_78, %ge3A_80 : vector<512x256xf32>
    %mul3A_82 = arith.constant 1.000000e-01 : f32
    %mul3A_83 = vector.broadcast %mul3A_82 : f32 to vector<512x256xf32>
    %mul3A_84 = arith.mulf %mul3A_83, %add3A_78 : vector<512x256xf32>
    %select_n3A_85 = arith.select %ge3A_81, %add3A_78, %mul3A_84 : vector<512x256xi1>, vector<512x256xf32>
    tpu.wait_dma2 semaphore(%arg36 : memref<!tpu.dma_semaphore, #tpu.memory_space<semaphore_mem>>) src(%arg16 : memref<800x256xf32, #tpu.memory_space<hbm>>) dst(%arg27 : memref<800x256xf32, #tpu.memory_space<vmem>>)
    %get3A_86 = arith.constant 0 : index
    %get3A_87 = arith.constant 0 : index
    %get3A_88 = vector.load %arg27[%get3A_86, %get3A_87] : memref<800x256xf32, #tpu.memory_space<vmem>>, vector<768x256xf32>
    %dot_general3A_89 = arith.constant dense<0.000000e+00> : vector<512x256xf32>
    %dot_general3A_90 = tpu.matmul %mul3A_10, %get3A_88, %dot_general3A_89 {dimension_numbers = #tpu.dot_dimension_numbers<[1], [0], [0], [1], [0, 0, 1, 1], [], []>, transpose_lhs_hint = false} : vector<512x768xf32>, vector<768x256xf32>, vector<512x256xf32> -> vector<512x256xf32>
    %get3A_91 = arith.constant 768 : index
    %get3A_92 = arith.constant 0 : index
    %get3A_93 = vector.load %arg27[%get3A_91, %get3A_92] : memref<800x256xf32, #tpu.memory_space<vmem>>, vector<32x256xf32>
    %dot_general3A_94 = arith.constant dense<0.000000e+00> : vector<512x256xf32>
    %dot_general3A_95 = tpu.matmul %dot_general3A_18, %get3A_93, %dot_general3A_94 {dimension_numbers = #tpu.dot_dimension_numbers<[1], [0], [0], [1], [0, 0, 1, 1], [], []>, transpose_lhs_hint = false} : vector<512x32xf32>, vector<32x256xf32>, vector<512x256xf32> -> vector<512x256xf32>
    %add3A_96 = arith.addf %dot_general3A_90, %dot_general3A_95 : vector<512x256xf32>
    %get3A_97 = arith.constant 0 : index
    %get3A_98 = arith.constant 0 : index
    %get3A_99 = vector.load %arg8[%get3A_97, %get3A_98] : memref<1x256xf32, #tpu.memory_space<vmem>>, vector<1x256xf32>
    %add3A_100 = vector.broadcast %get3A_99 : vector<1x256xf32> to vector<512x256xf32>
    %add3A_101 = arith.addf %add3A_96, %add3A_100 : vector<512x256xf32>
    %ge3A_102 = arith.constant 0.000000e+00 : f32
    %ge3A_103 = vector.broadcast %ge3A_102 : f32 to vector<512x256xf32>
    %ge3A_104 = arith.cmpf oge, %add3A_101, %ge3A_103 : vector<512x256xf32>
    %mul3A_105 = arith.constant 1.000000e-01 : f32
    %mul3A_106 = vector.broadcast %mul3A_105 : f32 to vector<512x256xf32>
    %mul3A_107 = arith.mulf %mul3A_106, %add3A_101 : vector<512x256xf32>
    %select_n3A_108 = arith.select %ge3A_104, %add3A_101, %mul3A_107 : vector<512x256xi1>, vector<512x256xf32>
    tpu.wait_dma2 semaphore(%arg37 : memref<!tpu.dma_semaphore, #tpu.memory_space<semaphore_mem>>) src(%arg17 : memref<256x768xf32, #tpu.memory_space<hbm>>) dst(%arg28 : memref<256x768xf32, #tpu.memory_space<vmem>>)
    %get3A_109 = arith.constant 0 : index
    %get3A_110 = arith.constant 0 : index
    %get3A_111 = vector.load %arg28[%get3A_109, %get3A_110] : memref<256x768xf32, #tpu.memory_space<vmem>>, vector<256x768xf32>
    %dot_general3A_112 = arith.constant dense<0.000000e+00> : vector<512x768xf32>
    %dot_general3A_113 = tpu.matmul %select_n3A_108, %get3A_111, %dot_general3A_112 {dimension_numbers = #tpu.dot_dimension_numbers<[1], [0], [0], [1], [0, 0, 1, 1], [], []>, transpose_lhs_hint = false} : vector<512x256xf32>, vector<256x768xf32>, vector<512x768xf32> -> vector<512x768xf32>
    %get3A_114 = arith.constant 0 : index
    %get3A_115 = arith.constant 0 : index
    %get3A_116 = vector.load %arg9[%get3A_114, %get3A_115] : memref<1x768xf32, #tpu.memory_space<vmem>>, vector<1x768xf32>
    %add3A_117 = vector.broadcast %get3A_116 : vector<1x768xf32> to vector<512x768xf32>
    %add3A_118 = arith.addf %dot_general3A_113, %add3A_117 : vector<512x768xf32>
    tpu.wait_dma2 semaphore(%arg38 : memref<!tpu.dma_semaphore, #tpu.memory_space<semaphore_mem>>) src(%arg18 : memref<768x768xf32, #tpu.memory_space<hbm>>) dst(%arg29 : memref<768x768xf32, #tpu.memory_space<vmem>>)
    %get3A_119 = arith.constant 0 : index
    %get3A_120 = arith.constant 0 : index
    %get3A_121 = vector.load %arg29[%get3A_119, %get3A_120] : memref<768x768xf32, #tpu.memory_space<vmem>>, vector<768x768xf32>
    %dot_general3A_122 = arith.constant dense<0.000000e+00> : vector<512x768xf32>
    %dot_general3A_123 = tpu.matmul %add3A_118, %get3A_121, %dot_general3A_122 {dimension_numbers = #tpu.dot_dimension_numbers<[1], [0], [0], [1], [0, 0, 1, 1], [], []>, transpose_lhs_hint = false} : vector<512x768xf32>, vector<768x768xf32>, vector<512x768xf32> -> vector<512x768xf32>
    %get3A_124 = arith.constant 0 : index
    %get3A_125 = arith.constant 0 : index
    %get3A_126 = vector.load %arg10[%get3A_124, %get3A_125] : memref<1x768xf32, #tpu.memory_space<vmem>>, vector<1x768xf32>
    %add3A_127 = vector.broadcast %get3A_126 : vector<1x768xf32> to vector<512x768xf32>
    %add3A_128 = arith.addf %dot_general3A_123, %add3A_127 : vector<512x768xf32>
    %get3A_129 = arith.constant 0 : index
    %get3A_130 = arith.constant 0 : index
    %get3A_131 = vector.load %arg11[%get3A_129, %get3A_130] : memref<1x768xf32, #tpu.memory_space<vmem>>, vector<1x768xf32>
    %broadcast_in_dim3A = vector.shape_cast %get3A_131 : vector<1x768xf32> to vector<1x768xf32>
    %broadcast_in_dim3A_132 = vector.broadcast %broadcast_in_dim3A : vector<1x768xf32> to vector<64x768xf32>
    %dot_general3A_133 = arith.constant dense<0.000000e+00> : vector<512x64xf32>
    %dot_general3A_134 = tpu.matmul %add3A_128, %broadcast_in_dim3A_132, %dot_general3A_133 {dimension_numbers = #tpu.dot_dimension_numbers<[1], [1], [0], [0], [0, 0, 1, 0], [], []>, transpose_lhs_hint = false} : vector<512x768xf32>, vector<64x768xf32>, vector<512x64xf32> -> vector<512x64xf32>
    %get3A_135 = arith.constant 0 : index
    %get3A_136 = arith.constant 0 : index
    %get3A_137 = memref.load %arg12[%get3A_135, %get3A_136] : memref<1x1xf32, #tpu.memory_space<smem>>
    %add3A_138 = vector.broadcast %get3A_137 : f32 to vector<512x64xf32>
    %add3A_139 = arith.addf %dot_general3A_134, %add3A_138 : vector<512x64xf32>
    %ge3A_140 = arith.constant 0.000000e+00 : f32
    %ge3A_141 = vector.broadcast %ge3A_140 : f32 to vector<512x64xf32>
    %ge3A_142 = arith.cmpf oge, %add3A_139, %ge3A_141 : vector<512x64xf32>
    %mul3A_143 = arith.constant 1.000000e-01 : f32
    %mul3A_144 = vector.broadcast %mul3A_143 : f32 to vector<512x64xf32>
    %mul3A_145 = arith.mulf %mul3A_144, %add3A_139 : vector<512x64xf32>
    %select_n3A_146 = arith.select %ge3A_142, %add3A_139, %mul3A_145 : vector<512x64xi1>, vector<512x64xf32>
    %reshape3A = vector.shape_cast %select_n3A_146 : vector<512x64xf32> to vector<8x64x64xf32>
    %get3A_147 = arith.constant 0 : index
    %get3A_148 = arith.constant 0 : index
    %get3A_149 = arith.constant 0 : index
    %get3A_150 = vector.load %arg3[%get3A_147, %get3A_148, %get3A_149] : memref<8x64x64xi32, #tpu.memory_space<vmem>>, vector<8x64x64xi32>
    %ne3A = arith.constant 0 : i32
    %ne3A_151 = vector.broadcast %ne3A : i32 to vector<8x64x64xi32>
    %ne3A_152 = arith.cmpi ne, %get3A_150, %ne3A_151 : vector<8x64x64xi32>
    %jit3A = arith.constant -1.000000e+00 : f32
    %broadcast_in_dim3A_153 = vector.broadcast %jit3A : f32 to vector<8x64x64xf32>
    %select_n3A_154 = arith.select %ne3A_152, %reshape3A, %broadcast_in_dim3A_153 : vector<8x64x64xi1>, vector<8x64x64xf32>
    %slice3A = vector.extract_strided_slice %select_n3A_154 {offsets = [0, 0, 0], sizes = [1, 64, 64], strides = [1, 1, 1]} : vector<8x64x64xf32> to vector<1x64x64xf32>
    %squeeze3A = vector.shape_cast %slice3A : vector<1x64x64xf32> to vector<64x64xf32>
    %broadcast_in_dim3A_155 = vector.shape_cast %squeeze3A : vector<64x64xf32> to vector<1x64x64xf32>
    %broadcast_in_dim3A_156 = vector.shape_cast %broadcast_in_dim3A_155 : vector<1x64x64xf32> to vector<1x64x64xf32>
    %broadcast_in_dim3A_157 = vector.broadcast %broadcast_in_dim3A_156 : vector<1x64x64xf32> to vector<31x64x64xf32>
    %swap3A = arith.constant 0 : index
    %swap3A_158 = arith.constant 0 : index
    %swap3A_159 = arith.constant 0 : index
    %swap3A_160 = arith.constant 0 : index
    %swap3A_161 = vector.load %arg32[%swap3A, %swap3A_158, %swap3A_159, %swap3A_160] : memref<8x31x64x64xf32, #tpu.memory_space<vmem>>, vector<1x31x64x64xf32>
    %swap3A_162 = vector.shape_cast %swap3A_161 : vector<1x31x64x64xf32> to vector<31x64x64xf32>
    %swap3A_163 = vector.shape_cast %broadcast_in_dim3A_157 : vector<31x64x64xf32> to vector<1x31x64x64xf32>
    tpu.vector_store %arg32[%swap3A, %swap3A_158, %swap3A_159, %swap3A_160], %swap3A_163 {strides = array<i32>} : memref<8x31x64x64xf32, #tpu.memory_space<vmem>>, vector<1x31x64x64xf32>,
    %slice3A_164 = vector.extract_strided_slice %select_n3A_154 {offsets = [1, 0, 0], sizes = [1, 64, 64], strides = [1, 1, 1]} : vector<8x64x64xf32> to vector<1x64x64xf32>
    %squeeze3A_165 = vector.shape_cast %slice3A_164 : vector<1x64x64xf32> to vector<64x64xf32>
    %broadcast_in_dim3A_166 = vector.shape_cast %squeeze3A_165 : vector<64x64xf32> to vector<1x64x64xf32>
    %broadcast_in_dim3A_167 = vector.shape_cast %broadcast_in_dim3A_166 : vector<1x64x64xf32> to vector<1x64x64xf32>
    %broadcast_in_dim3A_168 = vector.broadcast %broadcast_in_dim3A_167 : vector<1x64x64xf32> to vector<31x64x64xf32>
    %swap3A_169 = arith.constant 1 : index
    %swap3A_170 = arith.constant 0 : index
    %swap3A_171 = arith.constant 0 : index
    %swap3A_172 = arith.constant 0 : index
    %swap3A_173 = vector.load %arg32[%swap3A_169, %swap3A_170, %swap3A_171, %swap3A_172] : memref<8x31x64x64xf32, #tpu.memory_space<vmem>>, vector<1x31x64x64xf32>
    %swap3A_174 = vector.shape_cast %swap3A_173 : vector<1x31x64x64xf32> to vector<31x64x64xf32>
    %swap3A_175 = vector.shape_cast %broadcast_in_dim3A_168 : vector<31x64x64xf32> to vector<1x31x64x64xf32>
    tpu.vector_store %arg32[%swap3A_169, %swap3A_170, %swap3A_171, %swap3A_172], %swap3A_175 {strides = array<i32>} : memref<8x31x64x64xf32, #tpu.memory_space<vmem>>, vector<1x31x64x64xf32>,
    %slice3A_176 = vector.extract_strided_slice %select_n3A_154 {offsets = [2, 0, 0], sizes = [1, 64, 64], strides = [1, 1, 1]} : vector<8x64x64xf32> to vector<1x64x64xf32>
    %squeeze3A_177 = vector.shape_cast %slice3A_176 : vector<1x64x64xf32> to vector<64x64xf32>
    %broadcast_in_dim3A_178 = vector.shape_cast %squeeze3A_177 : vector<64x64xf32> to vector<1x64x64xf32>
    %broadcast_in_dim3A_179 = vector.shape_cast %broadcast_in_dim3A_178 : vector<1x64x64xf32> to vector<1x64x64xf32>
    %broadcast_in_dim3A_180 = vector.broadcast %broadcast_in_dim3A_179 : vector<1x64x64xf32> to vector<31x64x64xf32>
    %swap3A_181 = arith.constant 2 : index
    %swap3A_182 = arith.constant 0 : index
    %swap3A_183 = arith.constant 0 : index
    %swap3A_184 = arith.constant 0 : index
    %swap3A_185 = vector.load %arg32[%swap3A_181, %swap3A_182, %swap3A_183, %swap3A_184] : memref<8x31x64x64xf32, #tpu.memory_space<vmem>>, vector<1x31x64x64xf32>
    %swap3A_186 = vector.shape_cast %swap3A_185 : vector<1x31x64x64xf32> to vector<31x64x64xf32>
    %swap3A_187 = vector.shape_cast %broadcast_in_dim3A_180 : vector<31x64x64xf32> to vector<1x31x64x64xf32>
    tpu.vector_store %arg32[%swap3A_181, %swap3A_182, %swap3A_183, %swap3A_184], %swap3A_187 {strides = array<i32>} : memref<8x31x64x64xf32, #tpu.memory_space<vmem>>, vector<1x31x64x64xf32>,
    %slice3A_188 = vector.extract_strided_slice %select_n3A_154 {offsets = [3, 0, 0], sizes = [1, 64, 64], strides = [1, 1, 1]} : vector<8x64x64xf32> to vector<1x64x64xf32>
    %squeeze3A_189 = vector.shape_cast %slice3A_188 : vector<1x64x64xf32> to vector<64x64xf32>
    %broadcast_in_dim3A_190 = vector.shape_cast %squeeze3A_189 : vector<64x64xf32> to vector<1x64x64xf32>
    %broadcast_in_dim3A_191 = vector.shape_cast %broadcast_in_dim3A_190 : vector<1x64x64xf32> to vector<1x64x64xf32>
    %broadcast_in_dim3A_192 = vector.broadcast %broadcast_in_dim3A_191 : vector<1x64x64xf32> to vector<31x64x64xf32>
    %swap3A_193 = arith.constant 3 : index
    %swap3A_194 = arith.constant 0 : index
    %swap3A_195 = arith.constant 0 : index
    %swap3A_196 = arith.constant 0 : index
    %swap3A_197 = vector.load %arg32[%swap3A_193, %swap3A_194, %swap3A_195, %swap3A_196] : memref<8x31x64x64xf32, #tpu.memory_space<vmem>>, vector<1x31x64x64xf32>
    %swap3A_198 = vector.shape_cast %swap3A_197 : vector<1x31x64x64xf32> to vector<31x64x64xf32>
    %swap3A_199 = vector.shape_cast %broadcast_in_dim3A_192 : vector<31x64x64xf32> to vector<1x31x64x64xf32>
    tpu.vector_store %arg32[%swap3A_193, %swap3A_194, %swap3A_195, %swap3A_196], %swap3A_199 {strides = array<i32>} : memref<8x31x64x64xf32, #tpu.memory_space<vmem>>, vector<1x31x64x64xf32>,
    %slice3A_200 = vector.extract_strided_slice %select_n3A_154 {offsets = [4, 0, 0], sizes = [1, 64, 64], strides = [1, 1, 1]} : vector<8x64x64xf32> to vector<1x64x64xf32>
    %squeeze3A_201 = vector.shape_cast %slice3A_200 : vector<1x64x64xf32> to vector<64x64xf32>
    %broadcast_in_dim3A_202 = vector.shape_cast %squeeze3A_201 : vector<64x64xf32> to vector<1x64x64xf32>
    %broadcast_in_dim3A_203 = vector.shape_cast %broadcast_in_dim3A_202 : vector<1x64x64xf32> to vector<1x64x64xf32>
    %broadcast_in_dim3A_204 = vector.broadcast %broadcast_in_dim3A_203 : vector<1x64x64xf32> to vector<31x64x64xf32>
    %swap3A_205 = arith.constant 4 : index
    %swap3A_206 = arith.constant 0 : index
    %swap3A_207 = arith.constant 0 : index
    %swap3A_208 = arith.constant 0 : index
    %swap3A_209 = vector.load %arg32[%swap3A_205, %swap3A_206, %swap3A_207, %swap3A_208] : memref<8x31x64x64xf32, #tpu.memory_space<vmem>>, vector<1x31x64x64xf32>
    %swap3A_210 = vector.shape_cast %swap3A_209 : vector<1x31x64x64xf32> to vector<31x64x64xf32>
    %swap3A_211 = vector.shape_cast %broadcast_in_dim3A_204 : vector<31x64x64xf32> to vector<1x31x64x64xf32>
    tpu.vector_store %arg32[%swap3A_205, %swap3A_206, %swap3A_207, %swap3A_208], %swap3A_211 {strides = array<i32>} : memref<8x31x64x64xf32, #tpu.memory_space<vmem>>, vector<1x31x64x64xf32>,
    %slice3A_212 = vector.extract_strided_slice %select_n3A_154 {offsets = [5, 0, 0], sizes = [1, 64, 64], strides = [1, 1, 1]} : vector<8x64x64xf32> to vector<1x64x64xf32>
    %squeeze3A_213 = vector.shape_cast %slice3A_212 : vector<1x64x64xf32> to vector<64x64xf32>
    %broadcast_in_dim3A_214 = vector.shape_cast %squeeze3A_213 : vector<64x64xf32> to vector<1x64x64xf32>
    %broadcast_in_dim3A_215 = vector.shape_cast %broadcast_in_dim3A_214 : vector<1x64x64xf32> to vector<1x64x64xf32>
    %broadcast_in_dim3A_216 = vector.broadcast %broadcast_in_dim3A_215 : vector<1x64x64xf32> to vector<31x64x64xf32>
    %swap3A_217 = arith.constant 5 : index
    %swap3A_218 = arith.constant 0 : index
    %swap3A_219 = arith.constant 0 : index
    %swap3A_220 = arith.constant 0 : index
    %swap3A_221 = vector.load %arg32[%swap3A_217, %swap3A_218, %swap3A_219, %swap3A_220] : memref<8x31x64x64xf32, #tpu.memory_space<vmem>>, vector<1x31x64x64xf32>
    %swap3A_222 = vector.shape_cast %swap3A_221 : vector<1x31x64x64xf32> to vector<31x64x64xf32>
    %swap3A_223 = vector.shape_cast %broadcast_in_dim3A_216 : vector<31x64x64xf32> to vector<1x31x64x64xf32>
    tpu.vector_store %arg32[%swap3A_217, %swap3A_218, %swap3A_219, %swap3A_220], %swap3A_223 {strides = array<i32>} : memref<8x31x64x64xf32, #tpu.memory_space<vmem>>, vector<1x31x64x64xf32>,
    %slice3A_224 = vector.extract_strided_slice %select_n3A_154 {offsets = [6, 0, 0], sizes = [1, 64, 64], strides = [1, 1, 1]} : vector<8x64x64xf32> to vector<1x64x64xf32>
    %squeeze3A_225 = vector.shape_cast %slice3A_224 : vector<1x64x64xf32> to vector<64x64xf32>
    %broadcast_in_dim3A_226 = vector.shape_cast %squeeze3A_225 : vector<64x64xf32> to vector<1x64x64xf32>
    %broadcast_in_dim3A_227 = vector.shape_cast %broadcast_in_dim3A_226 : vector<1x64x64xf32> to vector<1x64x64xf32>
    %broadcast_in_dim3A_228 = vector.broadcast %broadcast_in_dim3A_227 : vector<1x64x64xf32> to vector<31x64x64xf32>
    %swap3A_229 = arith.constant 6 : index
    %swap3A_230 = arith.constant 0 : index
    %swap3A_231 = arith.constant 0 : index
    %swap3A_232 = arith.constant 0 : index
    %swap3A_233 = vector.load %arg32[%swap3A_229, %swap3A_230, %swap3A_231, %swap3A_232] : memref<8x31x64x64xf32, #tpu.memory_space<vmem>>, vector<1x31x64x64xf32>
    %swap3A_234 = vector.shape_cast %swap3A_233 : vector<1x31x64x64xf32> to vector<31x64x64xf32>
    %swap3A_235 = vector.shape_cast %broadcast_in_dim3A_228 : vector<31x64x64xf32> to vector<1x31x64x64xf32>
    tpu.vector_store %arg32[%swap3A_229, %swap3A_230, %swap3A_231, %swap3A_232], %swap3A_235 {strides = array<i32>} : memref<8x31x64x64xf32, #tpu.memory_space<vmem>>, vector<1x31x64x64xf32>,
    %slice3A_236 = vector.extract_strided_slice %select_n3A_154 {offsets = [7, 0, 0], sizes = [1, 64, 64], strides = [1, 1, 1]} : vector<8x64x64xf32> to vector<1x64x64xf32>
    %squeeze3A_237 = vector.shape_cast %slice3A_236 : vector<1x64x64xf32> to vector<64x64xf32>
    %broadcast_in_dim3A_238 = vector.shape_cast %squeeze3A_237 : vector<64x64xf32> to vector<1x64x64xf32>
    %broadcast_in_dim3A_239 = vector.shape_cast %broadcast_in_dim3A_238 : vector<1x64x64xf32> to vector<1x64x64xf32>
    %broadcast_in_dim3A_240 = vector.broadcast %broadcast_in_dim3A_239 : vector<1x64x64xf32> to vector<31x64x64xf32>
    %swap3A_241 = arith.constant 7 : index
    %swap3A_242 = arith.constant 0 : index
    %swap3A_243 = arith.constant 0 : index
    %swap3A_244 = arith.constant 0 : index
    %swap3A_245 = vector.load %arg32[%swap3A_241, %swap3A_242, %swap3A_243, %swap3A_244] : memref<8x31x64x64xf32, #tpu.memory_space<vmem>>, vector<1x31x64x64xf32>
    %swap3A_246 = vector.shape_cast %swap3A_245 : vector<1x31x64x64xf32> to vector<31x64x64xf32>
    %swap3A_247 = vector.shape_cast %broadcast_in_dim3A_240 : vector<31x64x64xf32> to vector<1x31x64x64xf32>
    tpu.vector_store %arg32[%swap3A_241, %swap3A_242, %swap3A_243, %swap3A_244], %swap3A_247 {strides = array<i32>} : memref<8x31x64x64xf32, #tpu.memory_space<vmem>>, vector<1x31x64x64xf32>,
    tpu.enqueue_dma source(%arg32 : memref<8x31x64x64xf32, #tpu.memory_space<vmem>>) target(%arg23 : memref<8x31x64x64xf32, #tpu.memory_space<hbm>>) target_semaphore(%arg41 : memref<!tpu.dma_semaphore, #tpu.memory_space<semaphore_mem>>)
    %broadcast_in_dim3A_248 = arith.constant 1.000000e+00 : f32
    %broadcast_in_dim3A_249 = vector.broadcast %broadcast_in_dim3A_248 : f32 to vector<512x1xf32>
    %concatenate3A = tpu.concatenate %select_n3A, %broadcast_in_dim3A_249 in 1 : vector<512x256xf32>, vector<512x1xf32> -> vector<512x257xf32>
    %concatenate3A_250 = tpu.concatenate %select_n3A_62, %broadcast_in_dim3A_249 in 1 : vector<512x256xf32>, vector<512x1xf32> -> vector<512x257xf32>
    %concatenate3A_251 = tpu.concatenate %select_n3A_85, %broadcast_in_dim3A_249 in 1 : vector<512x256xf32>, vector<512x1xf32> -> vector<512x257xf32>
    %concatenate3A_252 = tpu.concatenate %select_n3A_108, %broadcast_in_dim3A_249 in 1 : vector<512x256xf32>, vector<512x1xf32> -> vector<512x257xf32>
    tpu.wait_dma2 semaphore(%arg39 : memref<!tpu.dma_semaphore, #tpu.memory_space<semaphore_mem>>) src(%arg19 : memref<2x257x257xf32, #tpu.memory_space<hbm>>) dst(%arg30 : memref<2x257x257xf32, #tpu.memory_space<vmem>>)
    %get3A_253 = arith.constant 0 : index
    %get3A_254 = arith.constant 0 : index
    %get3A_255 = arith.constant 0 : index
    %get3A_256 = vector.load %arg30[%get3A_253, %get3A_254, %get3A_255] : memref<2x257x257xf32, #tpu.memory_space<vmem>>, vector<1x257x257xf32>
    %get3A_257 = vector.shape_cast %get3A_256 : vector<1x257x257xf32> to vector<257x257xf32>
    %dot_general3A_258 = arith.constant dense<0.000000e+00> : vector<512x257xf32>
    %dot_general3A_259 = tpu.matmul %concatenate3A, %get3A_257, %dot_general3A_258 {dimension_numbers = #tpu.dot_dimension_numbers<[1], [0], [0], [1], [0, 0, 1, 1], [], []>, transpose_lhs_hint = false} : vector<512x257xf32>, vector<257x257xf32>, vector<512x257xf32> -> vector<512x257xf32>
    %slice3A_260 = vector.extract_strided_slice %dot_general3A_259 {offsets = [0, 0], sizes = [64, 257], strides = [1, 1]} : vector<512x257xf32> to vector<64x257xf32>
    %slice3A_261 = vector.extract_strided_slice %concatenate3A_250 {offsets = [0, 0], sizes = [64, 257], strides = [1, 1]} : vector<512x257xf32> to vector<64x257xf32>
    %dot_general3A_262 = arith.constant dense<0.000000e+00> : vector<64x64xf32>
    %dot_general3A_263 = tpu.matmul %slice3A_260, %slice3A_261, %dot_general3A_262 {dimension_numbers = #tpu.dot_dimension_numbers<[1], [1], [0], [0], [0, 0, 1, 0], [], []>, transpose_lhs_hint = false} : vector<64x257xf32>, vector<64x257xf32>, vector<64x64xf32> -> vector<64x64xf32>
    %swap3A_264 = arith.constant 0 : index
    %swap3A_265 = arith.constant 0 : index
    %swap3A_266 = arith.constant 0 : index
    %swap3A_267 = arith.constant 0 : index
    %swap3A_268 = vector.load %arg21[%swap3A_264, %swap3A_265, %swap3A_266, %swap3A_267] : memref<8x2x64x64xf32, #tpu.memory_space<vmem>>, vector<1x1x64x64xf32>
    %swap3A_269 = vector.shape_cast %swap3A_268 : vector<1x1x64x64xf32> to vector<64x64xf32>
    %swap3A_270 = vector.shape_cast %dot_general3A_263 : vector<64x64xf32> to vector<1x1x64x64xf32>
    tpu.vector_store %arg21[%swap3A_264, %swap3A_265, %swap3A_266, %swap3A_267], %swap3A_270 {strides = array<i32>} : memref<8x2x64x64xf32, #tpu.memory_space<vmem>>, vector<1x1x64x64xf32>,
    %slice3A_271 = vector.extract_strided_slice %dot_general3A_259 {offsets = [64, 0], sizes = [64, 257], strides = [1, 1]} : vector<512x257xf32> to vector<64x257xf32>
    %slice3A_272 = vector.extract_strided_slice %concatenate3A_250 {offsets = [64, 0], sizes = [64, 257], strides = [1, 1]} : vector<512x257xf32> to vector<64x257xf32>
    %dot_general3A_273 = arith.constant dense<0.000000e+00> : vector<64x64xf32>
    %dot_general3A_274 = tpu.matmul %slice3A_271, %slice3A_272, %dot_general3A_273 {dimension_numbers = #tpu.dot_dimension_numbers<[1], [1], [0], [0], [0, 0, 1, 0], [], []>, transpose_lhs_hint = false} : vector<64x257xf32>, vector<64x257xf32>, vector<64x64xf32> -> vector<64x64xf32>
    %swap3A_275 = arith.constant 1 : index
    %swap3A_276 = arith.constant 0 : index
    %swap3A_277 = arith.constant 0 : index
    %swap3A_278 = arith.constant 0 : index
    %swap3A_279 = vector.load %arg21[%swap3A_275, %swap3A_276, %swap3A_277, %swap3A_278] : memref<8x2x64x64xf32, #tpu.memory_space<vmem>>, vector<1x1x64x64xf32>
    %swap3A_280 = vector.shape_cast %swap3A_279 : vector<1x1x64x64xf32> to vector<64x64xf32>
    %swap3A_281 = vector.shape_cast %dot_general3A_274 : vector<64x64xf32> to vector<1x1x64x64xf32>
    tpu.vector_store %arg21[%swap3A_275, %swap3A_276, %swap3A_277, %swap3A_278], %swap3A_281 {strides = array<i32>} : memref<8x2x64x64xf32, #tpu.memory_space<vmem>>, vector<1x1x64x64xf32>,
    %slice3A_282 = vector.extract_strided_slice %dot_general3A_259 {offsets = [128, 0], sizes = [64, 257], strides = [1, 1]} : vector<512x257xf32> to vector<64x257xf32>
    %slice3A_283 = vector.extract_strided_slice %concatenate3A_250 {offsets = [128, 0], sizes = [64, 257], strides = [1, 1]} : vector<512x257xf32> to vector<64x257xf32>
    %dot_general3A_284 = arith.constant dense<0.000000e+00> : vector<64x64xf32>
    %dot_general3A_285 = tpu.matmul %slice3A_282, %slice3A_283, %dot_general3A_284 {dimension_numbers = #tpu.dot_dimension_numbers<[1], [1], [0], [0], [0, 0, 1, 0], [], []>, transpose_lhs_hint = false} : vector<64x257xf32>, vector<64x257xf32>, vector<64x64xf32> -> vector<64x64xf32>
    %swap3A_286 = arith.constant 2 : index
    %swap3A_287 = arith.constant 0 : index
    %swap3A_288 = arith.constant 0 : index
    %swap3A_289 = arith.constant 0 : index
    %swap3A_290 = vector.load %arg21[%swap3A_286, %swap3A_287, %swap3A_288, %swap3A_289] : memref<8x2x64x64xf32, #tpu.memory_space<vmem>>, vector<1x1x64x64xf32>
    %swap3A_291 = vector.shape_cast %swap3A_290 : vector<1x1x64x64xf32> to vector<64x64xf32>
    %swap3A_292 = vector.shape_cast %dot_general3A_285 : vector<64x64xf32> to vector<1x1x64x64xf32>
    tpu.vector_store %arg21[%swap3A_286, %swap3A_287, %swap3A_288, %swap3A_289], %swap3A_292 {strides = array<i32>} : memref<8x2x64x64xf32, #tpu.memory_space<vmem>>, vector<1x1x64x64xf32>,
    %slice3A_293 = vector.extract_strided_slice %dot_general3A_259 {offsets = [192, 0], sizes = [64, 257], strides = [1, 1]} : vector<512x257xf32> to vector<64x257xf32>
    %slice3A_294 = vector.extract_strided_slice %concatenate3A_250 {offsets = [192, 0], sizes = [64, 257], strides = [1, 1]} : vector<512x257xf32> to vector<64x257xf32>
    %dot_general3A_295 = arith.constant dense<0.000000e+00> : vector<64x64xf32>
    %dot_general3A_296 = tpu.matmul %slice3A_293, %slice3A_294, %dot_general3A_295 {dimension_numbers = #tpu.dot_dimension_numbers<[1], [1], [0], [0], [0, 0, 1, 0], [], []>, transpose_lhs_hint = false} : vector<64x257xf32>, vector<64x257xf32>, vector<64x64xf32> -> vector<64x64xf32>
    %swap3A_297 = arith.constant 3 : index
    %swap3A_298 = arith.constant 0 : index
    %swap3A_299 = arith.constant 0 : index
    %swap3A_300 = arith.constant 0 : index
    %swap3A_301 = vector.load %arg21[%swap3A_297, %swap3A_298, %swap3A_299, %swap3A_300] : memref<8x2x64x64xf32, #tpu.memory_space<vmem>>, vector<1x1x64x64xf32>
    %swap3A_302 = vector.shape_cast %swap3A_301 : vector<1x1x64x64xf32> to vector<64x64xf32>
    %swap3A_303 = vector.shape_cast %dot_general3A_296 : vector<64x64xf32> to vector<1x1x64x64xf32>
    tpu.vector_store %arg21[%swap3A_297, %swap3A_298, %swap3A_299, %swap3A_300], %swap3A_303 {strides = array<i32>} : memref<8x2x64x64xf32, #tpu.memory_space<vmem>>, vector<1x1x64x64xf32>,
    %slice3A_304 = vector.extract_strided_slice %dot_general3A_259 {offsets = [256, 0], sizes = [64, 257], strides = [1, 1]} : vector<512x257xf32> to vector<64x257xf32>
    %slice3A_305 = vector.extract_strided_slice %concatenate3A_250 {offsets = [256, 0], sizes = [64, 257], strides = [1, 1]} : vector<512x257xf32> to vector<64x257xf32>
    %dot_general3A_306 = arith.constant dense<0.000000e+00> : vector<64x64xf32>
    %dot_general3A_307 = tpu.matmul %slice3A_304, %slice3A_305, %dot_general3A_306 {dimension_numbers = #tpu.dot_dimension_numbers<[1], [1], [0], [0], [0, 0, 1, 0], [], []>, transpose_lhs_hint = false} : vector<64x257xf32>, vector<64x257xf32>, vector<64x64xf32> -> vector<64x64xf32>
    %swap3A_308 = arith.constant 4 : index
    %swap3A_309 = arith.constant 0 : index
    %swap3A_310 = arith.constant 0 : index
    %swap3A_311 = arith.constant 0 : index
    %swap3A_312 = vector.load %arg21[%swap3A_308, %swap3A_309, %swap3A_310, %swap3A_311] : memref<8x2x64x64xf32, #tpu.memory_space<vmem>>, vector<1x1x64x64xf32>
    %swap3A_313 = vector.shape_cast %swap3A_312 : vector<1x1x64x64xf32> to vector<64x64xf32>
    %swap3A_314 = vector.shape_cast %dot_general3A_307 : vector<64x64xf32> to vector<1x1x64x64xf32>
    tpu.vector_store %arg21[%swap3A_308, %swap3A_309, %swap3A_310, %swap3A_311], %swap3A_314 {strides = array<i32>} : memref<8x2x64x64xf32, #tpu.memory_space<vmem>>, vector<1x1x64x64xf32>,
    %slice3A_315 = vector.extract_strided_slice %dot_general3A_259 {offsets = [320, 0], sizes = [64, 257], strides = [1, 1]} : vector<512x257xf32> to vector<64x257xf32>
    %slice3A_316 = vector.extract_strided_slice %concatenate3A_250 {offsets = [320, 0], sizes = [64, 257], strides = [1, 1]} : vector<512x257xf32> to vector<64x257xf32>
    %dot_general3A_317 = arith.constant dense<0.000000e+00> : vector<64x64xf32>
    %dot_general3A_318 = tpu.matmul %slice3A_315, %slice3A_316, %dot_general3A_317 {dimension_numbers = #tpu.dot_dimension_numbers<[1], [1], [0], [0], [0, 0, 1, 0], [], []>, transpose_lhs_hint = false} : vector<64x257xf32>, vector<64x257xf32>, vector<64x64xf32> -> vector<64x64xf32>
    %swap3A_319 = arith.constant 5 : index
    %swap3A_320 = arith.constant 0 : index
    %swap3A_321 = arith.constant 0 : index
    %swap3A_322 = arith.constant 0 : index
    %swap3A_323 = vector.load %arg21[%swap3A_319, %swap3A_320, %swap3A_321, %swap3A_322] : memref<8x2x64x64xf32, #tpu.memory_space<vmem>>, vector<1x1x64x64xf32>
    %swap3A_324 = vector.shape_cast %swap3A_323 : vector<1x1x64x64xf32> to vector<64x64xf32>
    %swap3A_325 = vector.shape_cast %dot_general3A_318 : vector<64x64xf32> to vector<1x1x64x64xf32>
    tpu.vector_store %arg21[%swap3A_319, %swap3A_320, %swap3A_321, %swap3A_322], %swap3A_325 {strides = array<i32>} : memref<8x2x64x64xf32, #tpu.memory_space<vmem>>, vector<1x1x64x64xf32>,
    %slice3A_326 = vector.extract_strided_slice %dot_general3A_259 {offsets = [384, 0], sizes = [64, 257], strides = [1, 1]} : vector<512x257xf32> to vector<64x257xf32>
    %slice3A_327 = vector.extract_strided_slice %concatenate3A_250 {offsets = [384, 0], sizes = [64, 257], strides = [1, 1]} : vector<512x257xf32> to vector<64x257xf32>
    %dot_general3A_328 = arith.constant dense<0.000000e+00> : vector<64x64xf32>
    %dot_general3A_329 = tpu.matmul %slice3A_326, %slice3A_327, %dot_general3A_328 {dimension_numbers = #tpu.dot_dimension_numbers<[1], [1], [0], [0], [0, 0, 1, 0], [], []>, transpose_lhs_hint = false} : vector<64x257xf32>, vector<64x257xf32>, vector<64x64xf32> -> vector<64x64xf32>
    %swap3A_330 = arith.constant 6 : index
    %swap3A_331 = arith.constant 0 : index
    %swap3A_332 = arith.constant 0 : index
    %swap3A_333 = arith.constant 0 : index
    %swap3A_334 = vector.load %arg21[%swap3A_330, %swap3A_331, %swap3A_332, %swap3A_333] : memref<8x2x64x64xf32, #tpu.memory_space<vmem>>, vector<1x1x64x64xf32>
    %swap3A_335 = vector.shape_cast %swap3A_334 : vector<1x1x64x64xf32> to vector<64x64xf32>
    %swap3A_336 = vector.shape_cast %dot_general3A_329 : vector<64x64xf32> to vector<1x1x64x64xf32>
    tpu.vector_store %arg21[%swap3A_330, %swap3A_331, %swap3A_332, %swap3A_333], %swap3A_336 {strides = array<i32>} : memref<8x2x64x64xf32, #tpu.memory_space<vmem>>, vector<1x1x64x64xf32>,
    %slice3A_337 = vector.extract_strided_slice %dot_general3A_259 {offsets = [448, 0], sizes = [64, 257], strides = [1, 1]} : vector<512x257xf32> to vector<64x257xf32>
    %slice3A_338 = vector.extract_strided_slice %concatenate3A_250 {offsets = [448, 0], sizes = [64, 257], strides = [1, 1]} : vector<512x257xf32> to vector<64x257xf32>
    %dot_general3A_339 = arith.constant dense<0.000000e+00> : vector<64x64xf32>
    %dot_general3A_340 = tpu.matmul %slice3A_337, %slice3A_338, %dot_general3A_339 {dimension_numbers = #tpu.dot_dimension_numbers<[1], [1], [0], [0], [0, 0, 1, 0], [], []>, transpose_lhs_hint = false} : vector<64x257xf32>, vector<64x257xf32>, vector<64x64xf32> -> vector<64x64xf32>
    %swap3A_341 = arith.constant 7 : index
    %swap3A_342 = arith.constant 0 : index
    %swap3A_343 = arith.constant 0 : index
    %swap3A_344 = arith.constant 0 : index
    %swap3A_345 = vector.load %arg21[%swap3A_341, %swap3A_342, %swap3A_343, %swap3A_344] : memref<8x2x64x64xf32, #tpu.memory_space<vmem>>, vector<1x1x64x64xf32>
    %swap3A_346 = vector.shape_cast %swap3A_345 : vector<1x1x64x64xf32> to vector<64x64xf32>
    %swap3A_347 = vector.shape_cast %dot_general3A_340 : vector<64x64xf32> to vector<1x1x64x64xf32>
    tpu.vector_store %arg21[%swap3A_341, %swap3A_342, %swap3A_343, %swap3A_344], %swap3A_347 {strides = array<i32>} : memref<8x2x64x64xf32, #tpu.memory_space<vmem>>, vector<1x1x64x64xf32>,
    %get3A_348 = arith.constant 1 : index
    %get3A_349 = arith.constant 0 : index
    %get3A_350 = arith.constant 0 : index
    %get3A_351 = vector.load %arg30[%get3A_348, %get3A_349, %get3A_350] : memref<2x257x257xf32, #tpu.memory_space<vmem>>, vector<1x257x257xf32>
    %get3A_352 = vector.shape_cast %get3A_351 : vector<1x257x257xf32> to vector<257x257xf32>
    %dot_general3A_353 = arith.constant dense<0.000000e+00> : vector<512x257xf32>
    %dot_general3A_354 = tpu.matmul %concatenate3A, %get3A_352, %dot_general3A_353 {dimension_numbers = #tpu.dot_dimension_numbers<[1], [0], [0], [1], [0, 0, 1, 1], [], []>, transpose_lhs_hint = false} : vector<512x257xf32>, vector<257x257xf32>, vector<512x257xf32> -> vector<512x257xf32>
    %slice3A_355 = vector.extract_strided_slice %dot_general3A_354 {offsets = [0, 0], sizes = [64, 257], strides = [1, 1]} : vector<512x257xf32> to vector<64x257xf32>
    %slice3A_356 = vector.extract_strided_slice %concatenate3A_250 {offsets = [0, 0], sizes = [64, 257], strides = [1, 1]} : vector<512x257xf32> to vector<64x257xf32>
    %dot_general3A_357 = arith.constant dense<0.000000e+00> : vector<64x64xf32>
    %dot_general3A_358 = tpu.matmul %slice3A_355, %slice3A_356, %dot_general3A_357 {dimension_numbers = #tpu.dot_dimension_numbers<[1], [1], [0], [0], [0, 0, 1, 0], [], []>, transpose_lhs_hint = false} : vector<64x257xf32>, vector<64x257xf32>, vector<64x64xf32> -> vector<64x64xf32>
    %swap3A_359 = arith.constant 0 : index
    %swap3A_360 = arith.constant 1 : index
    %swap3A_361 = arith.constant 0 : index
    %swap3A_362 = arith.constant 0 : index
    %swap3A_363 = vector.load %arg21[%swap3A_359, %swap3A_360, %swap3A_361, %swap3A_362] : memref<8x2x64x64xf32, #tpu.memory_space<vmem>>, vector<1x1x64x64xf32>
    %swap3A_364 = vector.shape_cast %swap3A_363 : vector<1x1x64x64xf32> to vector<64x64xf32>
    %swap3A_365 = vector.shape_cast %dot_general3A_358 : vector<64x64xf32> to vector<1x1x64x64xf32>
    tpu.vector_store %arg21[%swap3A_359, %swap3A_360, %swap3A_361, %swap3A_362], %swap3A_365 {strides = array<i32>} : memref<8x2x64x64xf32, #tpu.memory_space<vmem>>, vector<1x1x64x64xf32>,
    %slice3A_366 = vector.extract_strided_slice %dot_general3A_354 {offsets = [64, 0], sizes = [64, 257], strides = [1, 1]} : vector<512x257xf32> to vector<64x257xf32>
    %slice3A_367 = vector.extract_strided_slice %concatenate3A_250 {offsets = [64, 0], sizes = [64, 257], strides = [1, 1]} : vector<512x257xf32> to vector<64x257xf32>
    %dot_general3A_368 = arith.constant dense<0.000000e+00> : vector<64x64xf32>
    %dot_general3A_369 = tpu.matmul %slice3A_366, %slice3A_367, %dot_general3A_368 {dimension_numbers = #tpu.dot_dimension_numbers<[1], [1], [0], [0], [0, 0, 1, 0], [], []>, transpose_lhs_hint = false} : vector<64x257xf32>, vector<64x257xf32>, vector<64x64xf32> -> vector<64x64xf32>
    %swap3A_370 = arith.constant 1 : index
    %swap3A_371 = arith.constant 1 : index
    %swap3A_372 = arith.constant 0 : index
    %swap3A_373 = arith.constant 0 : index
    %swap3A_374 = vector.load %arg21[%swap3A_370, %swap3A_371, %swap3A_372, %swap3A_373] : memref<8x2x64x64xf32, #tpu.memory_space<vmem>>, vector<1x1x64x64xf32>
    %swap3A_375 = vector.shape_cast %swap3A_374 : vector<1x1x64x64xf32> to vector<64x64xf32>
    %swap3A_376 = vector.shape_cast %dot_general3A_369 : vector<64x64xf32> to vector<1x1x64x64xf32>
    tpu.vector_store %arg21[%swap3A_370, %swap3A_371, %swap3A_372, %swap3A_373], %swap3A_376 {strides = array<i32>} : memref<8x2x64x64xf32, #tpu.memory_space<vmem>>, vector<1x1x64x64xf32>,
    %slice3A_377 = vector.extract_strided_slice %dot_general3A_354 {offsets = [128, 0], sizes = [64, 257], strides = [1, 1]} : vector<512x257xf32> to vector<64x257xf32>
    %slice3A_378 = vector.extract_strided_slice %concatenate3A_250 {offsets = [128, 0], sizes = [64, 257], strides = [1, 1]} : vector<512x257xf32> to vector<64x257xf32>
    %dot_general3A_379 = arith.constant dense<0.000000e+00> : vector<64x64xf32>
    %dot_general3A_380 = tpu.matmul %slice3A_377, %slice3A_378, %dot_general3A_379 {dimension_numbers = #tpu.dot_dimension_numbers<[1], [1], [0], [0], [0, 0, 1, 0], [], []>, transpose_lhs_hint = false} : vector<64x257xf32>, vector<64x257xf32>, vector<64x64xf32> -> vector<64x64xf32>
    %swap3A_381 = arith.constant 2 : index
    %swap3A_382 = arith.constant 1 : index
    %swap3A_383 = arith.constant 0 : index
    %swap3A_384 = arith.constant 0 : index
    %swap3A_385 = vector.load %arg21[%swap3A_381, %swap3A_382, %swap3A_383, %swap3A_384] : memref<8x2x64x64xf32, #tpu.memory_space<vmem>>, vector<1x1x64x64xf32>
    %swap3A_386 = vector.shape_cast %swap3A_385 : vector<1x1x64x64xf32> to vector<64x64xf32>
    %swap3A_387 = vector.shape_cast %dot_general3A_380 : vector<64x64xf32> to vector<1x1x64x64xf32>
    tpu.vector_store %arg21[%swap3A_381, %swap3A_382, %swap3A_383, %swap3A_384], %swap3A_387 {strides = array<i32>} : memref<8x2x64x64xf32, #tpu.memory_space<vmem>>, vector<1x1x64x64xf32>,
    %slice3A_388 = vector.extract_strided_slice %dot_general3A_354 {offsets = [192, 0], sizes = [64, 257], strides = [1, 1]} : vector<512x257xf32> to vector<64x257xf32>
    %slice3A_389 = vector.extract_strided_slice %concatenate3A_250 {offsets = [192, 0], sizes = [64, 257], strides = [1, 1]} : vector<512x257xf32> to vector<64x257xf32>
    %dot_general3A_390 = arith.constant dense<0.000000e+00> : vector<64x64xf32>
    %dot_general3A_391 = tpu.matmul %slice3A_388, %slice3A_389, %dot_general3A_390 {dimension_numbers = #tpu.dot_dimension_numbers<[1], [1], [0], [0], [0, 0, 1, 0], [], []>, transpose_lhs_hint = false} : vector<64x257xf32>, vector<64x257xf32>, vector<64x64xf32> -> vector<64x64xf32>
    %swap3A_392 = arith.constant 3 : index
    %swap3A_393 = arith.constant 1 : index
    %swap3A_394 = arith.constant 0 : index
    %swap3A_395 = arith.constant 0 : index
    %swap3A_396 = vector.load %arg21[%swap3A_392, %swap3A_393, %swap3A_394, %swap3A_395] : memref<8x2x64x64xf32, #tpu.memory_space<vmem>>, vector<1x1x64x64xf32>
    %swap3A_397 = vector.shape_cast %swap3A_396 : vector<1x1x64x64xf32> to vector<64x64xf32>
    %swap3A_398 = vector.shape_cast %dot_general3A_391 : vector<64x64xf32> to vector<1x1x64x64xf32>
    tpu.vector_store %arg21[%swap3A_392, %swap3A_393, %swap3A_394, %swap3A_395], %swap3A_398 {strides = array<i32>} : memref<8x2x64x64xf32, #tpu.memory_space<vmem>>, vector<1x1x64x64xf32>,
    %slice3A_399 = vector.extract_strided_slice %dot_general3A_354 {offsets = [256, 0], sizes = [64, 257], strides = [1, 1]} : vector<512x257xf32> to vector<64x257xf32>
    %slice3A_400 = vector.extract_strided_slice %concatenate3A_250 {offsets = [256, 0], sizes = [64, 257], strides = [1, 1]} : vector<512x257xf32> to vector<64x257xf32>
    %dot_general3A_401 = arith.constant dense<0.000000e+00> : vector<64x64xf32>
    %dot_general3A_402 = tpu.matmul %slice3A_399, %slice3A_400, %dot_general3A_401 {dimension_numbers = #tpu.dot_dimension_numbers<[1], [1], [0], [0], [0, 0, 1, 0], [], []>, transpose_lhs_hint = false} : vector<64x257xf32>, vector<64x257xf32>, vector<64x64xf32> -> vector<64x64xf32>
    %swap3A_403 = arith.constant 4 : index
    %swap3A_404 = arith.constant 1 : index
    %swap3A_405 = arith.constant 0 : index
    %swap3A_406 = arith.constant 0 : index
    %swap3A_407 = vector.load %arg21[%swap3A_403, %swap3A_404, %swap3A_405, %swap3A_406] : memref<8x2x64x64xf32, #tpu.memory_space<vmem>>, vector<1x1x64x64xf32>
    %swap3A_408 = vector.shape_cast %swap3A_407 : vector<1x1x64x64xf32> to vector<64x64xf32>
    %swap3A_409 = vector.shape_cast %dot_general3A_402 : vector<64x64xf32> to vector<1x1x64x64xf32>
    tpu.vector_store %arg21[%swap3A_403, %swap3A_404, %swap3A_405, %swap3A_406], %swap3A_409 {strides = array<i32>} : memref<8x2x64x64xf32, #tpu.memory_space<vmem>>, vector<1x1x64x64xf32>,
    %slice3A_410 = vector.extract_strided_slice %dot_general3A_354 {offsets = [320, 0], sizes = [64, 257], strides = [1, 1]} : vector<512x257xf32> to vector<64x257xf32>
    %slice3A_411 = vector.extract_strided_slice %concatenate3A_250 {offsets = [320, 0], sizes = [64, 257], strides = [1, 1]} : vector<512x257xf32> to vector<64x257xf32>
    %dot_general3A_412 = arith.constant dense<0.000000e+00> : vector<64x64xf32>
    %dot_general3A_413 = tpu.matmul %slice3A_410, %slice3A_411, %dot_general3A_412 {dimension_numbers = #tpu.dot_dimension_numbers<[1], [1], [0], [0], [0, 0, 1, 0], [], []>, transpose_lhs_hint = false} : vector<64x257xf32>, vector<64x257xf32>, vector<64x64xf32> -> vector<64x64xf32>
    %swap3A_414 = arith.constant 5 : index
    %swap3A_415 = arith.constant 1 : index
    %swap3A_416 = arith.constant 0 : index
    %swap3A_417 = arith.constant 0 : index
    %swap3A_418 = vector.load %arg21[%swap3A_414, %swap3A_415, %swap3A_416, %swap3A_417] : memref<8x2x64x64xf32, #tpu.memory_space<vmem>>, vector<1x1x64x64xf32>
    %swap3A_419 = vector.shape_cast %swap3A_418 : vector<1x1x64x64xf32> to vector<64x64xf32>
    %swap3A_420 = vector.shape_cast %dot_general3A_413 : vector<64x64xf32> to vector<1x1x64x64xf32>
    tpu.vector_store %arg21[%swap3A_414, %swap3A_415, %swap3A_416, %swap3A_417], %swap3A_420 {strides = array<i32>} : memref<8x2x64x64xf32, #tpu.memory_space<vmem>>, vector<1x1x64x64xf32>,
    %slice3A_421 = vector.extract_strided_slice %dot_general3A_354 {offsets = [384, 0], sizes = [64, 257], strides = [1, 1]} : vector<512x257xf32> to vector<64x257xf32>
    %slice3A_422 = vector.extract_strided_slice %concatenate3A_250 {offsets = [384, 0], sizes = [64, 257], strides = [1, 1]} : vector<512x257xf32> to vector<64x257xf32>
    %dot_general3A_423 = arith.constant dense<0.000000e+00> : vector<64x64xf32>
    %dot_general3A_424 = tpu.matmul %slice3A_421, %slice3A_422, %dot_general3A_423 {dimension_numbers = #tpu.dot_dimension_numbers<[1], [1], [0], [0], [0, 0, 1, 0], [], []>, transpose_lhs_hint = false} : vector<64x257xf32>, vector<64x257xf32>, vector<64x64xf32> -> vector<64x64xf32>
    %swap3A_425 = arith.constant 6 : index
    %swap3A_426 = arith.constant 1 : index
    %swap3A_427 = arith.constant 0 : index
    %swap3A_428 = arith.constant 0 : index
    %swap3A_429 = vector.load %arg21[%swap3A_425, %swap3A_426, %swap3A_427, %swap3A_428] : memref<8x2x64x64xf32, #tpu.memory_space<vmem>>, vector<1x1x64x64xf32>
    %swap3A_430 = vector.shape_cast %swap3A_429 : vector<1x1x64x64xf32> to vector<64x64xf32>
    %swap3A_431 = vector.shape_cast %dot_general3A_424 : vector<64x64xf32> to vector<1x1x64x64xf32>
    tpu.vector_store %arg21[%swap3A_425, %swap3A_426, %swap3A_427, %swap3A_428], %swap3A_431 {strides = array<i32>} : memref<8x2x64x64xf32, #tpu.memory_space<vmem>>, vector<1x1x64x64xf32>,
    %slice3A_432 = vector.extract_strided_slice %dot_general3A_354 {offsets = [448, 0], sizes = [64, 257], strides = [1, 1]} : vector<512x257xf32> to vector<64x257xf32>
    %slice3A_433 = vector.extract_strided_slice %concatenate3A_250 {offsets = [448, 0], sizes = [64, 257], strides = [1, 1]} : vector<512x257xf32> to vector<64x257xf32>
    %dot_general3A_434 = arith.constant dense<0.000000e+00> : vector<64x64xf32>
    %dot_general3A_435 = tpu.matmul %slice3A_432, %slice3A_433, %dot_general3A_434 {dimension_numbers = #tpu.dot_dimension_numbers<[1], [1], [0], [0], [0, 0, 1, 0], [], []>, transpose_lhs_hint = false} : vector<64x257xf32>, vector<64x257xf32>, vector<64x64xf32> -> vector<64x64xf32>
    %swap3A_436 = arith.constant 7 : index
    %swap3A_437 = arith.constant 1 : index
    %swap3A_438 = arith.constant 0 : index
    %swap3A_439 = arith.constant 0 : index
    %swap3A_440 = vector.load %arg21[%swap3A_436, %swap3A_437, %swap3A_438, %swap3A_439] : memref<8x2x64x64xf32, #tpu.memory_space<vmem>>, vector<1x1x64x64xf32>
    %swap3A_441 = vector.shape_cast %swap3A_440 : vector<1x1x64x64xf32> to vector<64x64xf32>
    %swap3A_442 = vector.shape_cast %dot_general3A_435 : vector<64x64xf32> to vector<1x1x64x64xf32>
    tpu.vector_store %arg21[%swap3A_436, %swap3A_437, %swap3A_438, %swap3A_439], %swap3A_442 {strides = array<i32>} : memref<8x2x64x64xf32, #tpu.memory_space<vmem>>, vector<1x1x64x64xf32>,
    tpu.wait_dma2 semaphore(%arg40 : memref<!tpu.dma_semaphore, #tpu.memory_space<semaphore_mem>>) src(%arg20 : memref<7x257x257xf32, #tpu.memory_space<hbm>>) dst(%arg31 : memref<7x257x257xf32, #tpu.memory_space<vmem>>)
    %get3A_443 = arith.constant 0 : index
    %get3A_444 = arith.constant 0 : index
    %get3A_445 = arith.constant 0 : index
    %get3A_446 = vector.load %arg31[%get3A_443, %get3A_444, %get3A_445] : memref<7x257x257xf32, #tpu.memory_space<vmem>>, vector<1x257x257xf32>
    %get3A_447 = vector.shape_cast %get3A_446 : vector<1x257x257xf32> to vector<257x257xf32>
    %dot_general3A_448 = arith.constant dense<0.000000e+00> : vector<512x257xf32>
    %dot_general3A_449 = tpu.matmul %concatenate3A_251, %get3A_447, %dot_general3A_448 {dimension_numbers = #tpu.dot_dimension_numbers<[1], [0], [0], [1], [0, 0, 1, 1], [], []>, transpose_lhs_hint = false} : vector<512x257xf32>, vector<257x257xf32>, vector<512x257xf32> -> vector<512x257xf32>
    %slice3A_450 = vector.extract_strided_slice %dot_general3A_449 {offsets = [0, 0], sizes = [64, 257], strides = [1, 1]} : vector<512x257xf32> to vector<64x257xf32>
    %slice3A_451 = vector.extract_strided_slice %concatenate3A_252 {offsets = [0, 0], sizes = [64, 257], strides = [1, 1]} : vector<512x257xf32> to vector<64x257xf32>
    %dot_general3A_452 = arith.constant dense<0.000000e+00> : vector<64x64xf32>
    %dot_general3A_453 = tpu.matmul %slice3A_450, %slice3A_451, %dot_general3A_452 {dimension_numbers = #tpu.dot_dimension_numbers<[1], [1], [0], [0], [0, 0, 1, 0], [], []>, transpose_lhs_hint = false} : vector<64x257xf32>, vector<64x257xf32>, vector<64x64xf32> -> vector<64x64xf32>
    %swap3A_454 = arith.constant 0 : index
    %swap3A_455 = arith.constant 0 : index
    %swap3A_456 = arith.constant 0 : index
    %swap3A_457 = arith.constant 0 : index
    %swap3A_458 = vector.load %arg22[%swap3A_454, %swap3A_455, %swap3A_456, %swap3A_457] : memref<8x7x64x64xf32, #tpu.memory_space<vmem>>, vector<1x1x64x64xf32>
    %swap3A_459 = vector.shape_cast %swap3A_458 : vector<1x1x64x64xf32> to vector<64x64xf32>
    %swap3A_460 = vector.shape_cast %dot_general3A_453 : vector<64x64xf32> to vector<1x1x64x64xf32>
    tpu.vector_store %arg22[%swap3A_454, %swap3A_455, %swap3A_456, %swap3A_457], %swap3A_460 {strides = array<i32>} : memref<8x7x64x64xf32, #tpu.memory_space<vmem>>, vector<1x1x64x64xf32>,
    %slice3A_461 = vector.extract_strided_slice %dot_general3A_449 {offsets = [64, 0], sizes = [64, 257], strides = [1, 1]} : vector<512x257xf32> to vector<64x257xf32>
    %slice3A_462 = vector.extract_strided_slice %concatenate3A_252 {offsets = [64, 0], sizes = [64, 257], strides = [1, 1]} : vector<512x257xf32> to vector<64x257xf32>
    %dot_general3A_463 = arith.constant dense<0.000000e+00> : vector<64x64xf32>
    %dot_general3A_464 = tpu.matmul %slice3A_461, %slice3A_462, %dot_general3A_463 {dimension_numbers = #tpu.dot_dimension_numbers<[1], [1], [0], [0], [0, 0, 1, 0], [], []>, transpose_lhs_hint = false} : vector<64x257xf32>, vector<64x257xf32>, vector<64x64xf32> -> vector<64x64xf32>
    %swap3A_465 = arith.constant 1 : index
    %swap3A_466 = arith.constant 0 : index
    %swap3A_467 = arith.constant 0 : index
    %swap3A_468 = arith.constant 0 : index
    %swap3A_469 = vector.load %arg22[%swap3A_465, %swap3A_466, %swap3A_467, %swap3A_468] : memref<8x7x64x64xf32, #tpu.memory_space<vmem>>, vector<1x1x64x64xf32>
    %swap3A_470 = vector.shape_cast %swap3A_469 : vector<1x1x64x64xf32> to vector<64x64xf32>
    %swap3A_471 = vector.shape_cast %dot_general3A_464 : vector<64x64xf32> to vector<1x1x64x64xf32>
    tpu.vector_store %arg22[%swap3A_465, %swap3A_466, %swap3A_467, %swap3A_468], %swap3A_471 {strides = array<i32>} : memref<8x7x64x64xf32, #tpu.memory_space<vmem>>, vector<1x1x64x64xf32>,
    %slice3A_472 = vector.extract_strided_slice %dot_general3A_449 {offsets = [128, 0], sizes = [64, 257], strides = [1, 1]} : vector<512x257xf32> to vector<64x257xf32>
    %slice3A_473 = vector.extract_strided_slice %concatenate3A_252 {offsets = [128, 0], sizes = [64, 257], strides = [1, 1]} : vector<512x257xf32> to vector<64x257xf32>
    %dot_general3A_474 = arith.constant dense<0.000000e+00> : vector<64x64xf32>
    %dot_general3A_475 = tpu.matmul %slice3A_472, %slice3A_473, %dot_general3A_474 {dimension_numbers = #tpu.dot_dimension_numbers<[1], [1], [0], [0], [0, 0, 1, 0], [], []>, transpose_lhs_hint = false} : vector<64x257xf32>, vector<64x257xf32>, vector<64x64xf32> -> vector<64x64xf32>
    %swap3A_476 = arith.constant 2 : index
    %swap3A_477 = arith.constant 0 : index
    %swap3A_478 = arith.constant 0 : index
    %swap3A_479 = arith.constant 0 : index
    %swap3A_480 = vector.load %arg22[%swap3A_476, %swap3A_477, %swap3A_478, %swap3A_479] : memref<8x7x64x64xf32, #tpu.memory_space<vmem>>, vector<1x1x64x64xf32>
    %swap3A_481 = vector.shape_cast %swap3A_480 : vector<1x1x64x64xf32> to vector<64x64xf32>
    %swap3A_482 = vector.shape_cast %dot_general3A_475 : vector<64x64xf32> to vector<1x1x64x64xf32>
    tpu.vector_store %arg22[%swap3A_476, %swap3A_477, %swap3A_478, %swap3A_479], %swap3A_482 {strides = array<i32>} : memref<8x7x64x64xf32, #tpu.memory_space<vmem>>, vector<1x1x64x64xf32>,
    %slice3A_483 = vector.extract_strided_slice %dot_general3A_449 {offsets = [192, 0], sizes = [64, 257], strides = [1, 1]} : vector<512x257xf32> to vector<64x257xf32>
    %slice3A_484 = vector.extract_strided_slice %concatenate3A_252 {offsets = [192, 0], sizes = [64, 257], strides = [1, 1]} : vector<512x257xf32> to vector<64x257xf32>
    %dot_general3A_485 = arith.constant dense<0.000000e+00> : vector<64x64xf32>
    %dot_general3A_486 = tpu.matmul %slice3A_483, %slice3A_484, %dot_general3A_485 {dimension_numbers = #tpu.dot_dimension_numbers<[1], [1], [0], [0], [0, 0, 1, 0], [], []>, transpose_lhs_hint = false} : vector<64x257xf32>, vector<64x257xf32>, vector<64x64xf32> -> vector<64x64xf32>
    %swap3A_487 = arith.constant 3 : index
    %swap3A_488 = arith.constant 0 : index
    %swap3A_489 = arith.constant 0 : index
    %swap3A_490 = arith.constant 0 : index
    %swap3A_491 = vector.load %arg22[%swap3A_487, %swap3A_488, %swap3A_489, %swap3A_490] : memref<8x7x64x64xf32, #tpu.memory_space<vmem>>, vector<1x1x64x64xf32>
    %swap3A_492 = vector.shape_cast %swap3A_491 : vector<1x1x64x64xf32> to vector<64x64xf32>
    %swap3A_493 = vector.shape_cast %dot_general3A_486 : vector<64x64xf32> to vector<1x1x64x64xf32>
    tpu.vector_store %arg22[%swap3A_487, %swap3A_488, %swap3A_489, %swap3A_490], %swap3A_493 {strides = array<i32>} : memref<8x7x64x64xf32, #tpu.memory_space<vmem>>, vector<1x1x64x64xf32>,
    %slice3A_494 = vector.extract_strided_slice %dot_general3A_449 {offsets = [256, 0], sizes = [64, 257], strides = [1, 1]} : vector<512x257xf32> to vector<64x257xf32>
    %slice3A_495 = vector.extract_strided_slice %concatenate3A_252 {offsets = [256, 0], sizes = [64, 257], strides = [1, 1]} : vector<512x257xf32> to vector<64x257xf32>
    %dot_general3A_496 = arith.constant dense<0.000000e+00> : vector<64x64xf32>
    %dot_general3A_497 = tpu.matmul %slice3A_494, %slice3A_495, %dot_general3A_496 {dimension_numbers = #tpu.dot_dimension_numbers<[1], [1], [0], [0], [0, 0, 1, 0], [], []>, transpose_lhs_hint = false} : vector<64x257xf32>, vector<64x257xf32>, vector<64x64xf32> -> vector<64x64xf32>
    %swap3A_498 = arith.constant 4 : index
    %swap3A_499 = arith.constant 0 : index
    %swap3A_500 = arith.constant 0 : index
    %swap3A_501 = arith.constant 0 : index
    %swap3A_502 = vector.load %arg22[%swap3A_498, %swap3A_499, %swap3A_500, %swap3A_501] : memref<8x7x64x64xf32, #tpu.memory_space<vmem>>, vector<1x1x64x64xf32>
    %swap3A_503 = vector.shape_cast %swap3A_502 : vector<1x1x64x64xf32> to vector<64x64xf32>
    %swap3A_504 = vector.shape_cast %dot_general3A_497 : vector<64x64xf32> to vector<1x1x64x64xf32>
    tpu.vector_store %arg22[%swap3A_498, %swap3A_499, %swap3A_500, %swap3A_501], %swap3A_504 {strides = array<i32>} : memref<8x7x64x64xf32, #tpu.memory_space<vmem>>, vector<1x1x64x64xf32>,
    %slice3A_505 = vector.extract_strided_slice %dot_general3A_449 {offsets = [320, 0], sizes = [64, 257], strides = [1, 1]} : vector<512x257xf32> to vector<64x257xf32>
    %slice3A_506 = vector.extract_strided_slice %concatenate3A_252 {offsets = [320, 0], sizes = [64, 257], strides = [1, 1]} : vector<512x257xf32> to vector<64x257xf32>
    %dot_general3A_507 = arith.constant dense<0.000000e+00> : vector<64x64xf32>
    %dot_general3A_508 = tpu.matmul %slice3A_505, %slice3A_506, %dot_general3A_507 {dimension_numbers = #tpu.dot_dimension_numbers<[1], [1], [0], [0], [0, 0, 1, 0], [], []>, transpose_lhs_hint = false} : vector<64x257xf32>, vector<64x257xf32>, vector<64x64xf32> -> vector<64x64xf32>
    %swap3A_509 = arith.constant 5 : index
    %swap3A_510 = arith.constant 0 : index
    %swap3A_511 = arith.constant 0 : index
    %swap3A_512 = arith.constant 0 : index
    %swap3A_513 = vector.load %arg22[%swap3A_509, %swap3A_510, %swap3A_511, %swap3A_512] : memref<8x7x64x64xf32, #tpu.memory_space<vmem>>, vector<1x1x64x64xf32>
    %swap3A_514 = vector.shape_cast %swap3A_513 : vector<1x1x64x64xf32> to vector<64x64xf32>
    %swap3A_515 = vector.shape_cast %dot_general3A_508 : vector<64x64xf32> to vector<1x1x64x64xf32>
    tpu.vector_store %arg22[%swap3A_509, %swap3A_510, %swap3A_511, %swap3A_512], %swap3A_515 {strides = array<i32>} : memref<8x7x64x64xf32, #tpu.memory_space<vmem>>, vector<1x1x64x64xf32>,
    %slice3A_516 = vector.extract_strided_slice %dot_general3A_449 {offsets = [384, 0], sizes = [64, 257], strides = [1, 1]} : vector<512x257xf32> to vector<64x257xf32>
    %slice3A_517 = vector.extract_strided_slice %concatenate3A_252 {offsets = [384, 0], sizes = [64, 257], strides = [1, 1]} : vector<512x257xf32> to vector<64x257xf32>
    %dot_general3A_518 = arith.constant dense<0.000000e+00> : vector<64x64xf32>
    %dot_general3A_519 = tpu.matmul %slice3A_516, %slice3A_517, %dot_general3A_518 {dimension_numbers = #tpu.dot_dimension_numbers<[1], [1], [0], [0], [0, 0, 1, 0], [], []>, transpose_lhs_hint = false} : vector<64x257xf32>, vector<64x257xf32>, vector<64x64xf32> -> vector<64x64xf32>
    %swap3A_520 = arith.constant 6 : index
    %swap3A_521 = arith.constant 0 : index
    %swap3A_522 = arith.constant 0 : index
    %swap3A_523 = arith.constant 0 : index
    %swap3A_524 = vector.load %arg22[%swap3A_520, %swap3A_521, %swap3A_522, %swap3A_523] : memref<8x7x64x64xf32, #tpu.memory_space<vmem>>, vector<1x1x64x64xf32>
    %swap3A_525 = vector.shape_cast %swap3A_524 : vector<1x1x64x64xf32> to vector<64x64xf32>
    %swap3A_526 = vector.shape_cast %dot_general3A_519 : vector<64x64xf32> to vector<1x1x64x64xf32>
    tpu.vector_store %arg22[%swap3A_520, %swap3A_521, %swap3A_522, %swap3A_523], %swap3A_526 {strides = array<i32>} : memref<8x7x64x64xf32, #tpu.memory_space<vmem>>, vector<1x1x64x64xf32>,
    %slice3A_527 = vector.extract_strided_slice %dot_general3A_449 {offsets = [448, 0], sizes = [64, 257], strides = [1, 1]} : vector<512x257xf32> to vector<64x257xf32>
    %slice3A_528 = vector.extract_strided_slice %concatenate3A_252 {offsets = [448, 0], sizes = [64, 257], strides = [1, 1]} : vector<512x257xf32> to vector<64x257xf32>
    %dot_general3A_529 = arith.constant dense<0.000000e+00> : vector<64x64xf32>
    %dot_general3A_530 = tpu.matmul %slice3A_527, %slice3A_528, %dot_general3A_529 {dimension_numbers = #tpu.dot_dimension_numbers<[1], [1], [0], [0], [0, 0, 1, 0], [], []>, transpose_lhs_hint = false} : vector<64x257xf32>, vector<64x257xf32>, vector<64x64xf32> -> vector<64x64xf32>
    %swap3A_531 = arith.constant 7 : index
    %swap3A_532 = arith.constant 0 : index
    %swap3A_533 = arith.constant 0 : index
    %swap3A_534 = arith.constant 0 : index
    %swap3A_535 = vector.load %arg22[%swap3A_531, %swap3A_532, %swap3A_533, %swap3A_534] : memref<8x7x64x64xf32, #tpu.memory_space<vmem>>, vector<1x1x64x64xf32>
    %swap3A_536 = vector.shape_cast %swap3A_535 : vector<1x1x64x64xf32> to vector<64x64xf32>
    %swap3A_537 = vector.shape_cast %dot_general3A_530 : vector<64x64xf32> to vector<1x1x64x64xf32>
    tpu.vector_store %arg22[%swap3A_531, %swap3A_532, %swap3A_533, %swap3A_534], %swap3A_537 {strides = array<i32>} : memref<8x7x64x64xf32, #tpu.memory_space<vmem>>, vector<1x1x64x64xf32>,
    %get3A_538 = arith.constant 1 : index
    %get3A_539 = arith.constant 0 : index
    %get3A_540 = arith.constant 0 : index
    %get3A_541 = vector.load %arg31[%get3A_538, %get3A_539, %get3A_540] : memref<7x257x257xf32, #tpu.memory_space<vmem>>, vector<1x257x257xf32>
    %get3A_542 = vector.shape_cast %get3A_541 : vector<1x257x257xf32> to vector<257x257xf32>
    %dot_general3A_543 = arith.constant dense<0.000000e+00> : vector<512x257xf32>
    %dot_general3A_544 = tpu.matmul %concatenate3A_251, %get3A_542, %dot_general3A_543 {dimension_numbers = #tpu.dot_dimension_numbers<[1], [0], [0], [1], [0, 0, 1, 1], [], []>, transpose_lhs_hint = false} : vector<512x257xf32>, vector<257x257xf32>, vector<512x257xf32> -> vector<512x257xf32>
    %slice3A_545 = vector.extract_strided_slice %dot_general3A_544 {offsets = [0, 0], sizes = [64, 257], strides = [1, 1]} : vector<512x257xf32> to vector<64x257xf32>
    %slice3A_546 = vector.extract_strided_slice %concatenate3A_252 {offsets = [0, 0], sizes = [64, 257], strides = [1, 1]} : vector<512x257xf32> to vector<64x257xf32>
    %dot_general3A_547 = arith.constant dense<0.000000e+00> : vector<64x64xf32>
    %dot_general3A_548 = tpu.matmul %slice3A_545, %slice3A_546, %dot_general3A_547 {dimension_numbers = #tpu.dot_dimension_numbers<[1], [1], [0], [0], [0, 0, 1, 0], [], []>, transpose_lhs_hint = false} : vector<64x257xf32>, vector<64x257xf32>, vector<64x64xf32> -> vector<64x64xf32>
    %swap3A_549 = arith.constant 0 : index
    %swap3A_550 = arith.constant 1 : index
    %swap3A_551 = arith.constant 0 : index
    %swap3A_552 = arith.constant 0 : index
    %swap3A_553 = vector.load %arg22[%swap3A_549, %swap3A_550, %swap3A_551, %swap3A_552] : memref<8x7x64x64xf32, #tpu.memory_space<vmem>>, vector<1x1x64x64xf32>
    %swap3A_554 = vector.shape_cast %swap3A_553 : vector<1x1x64x64xf32> to vector<64x64xf32>
    %swap3A_555 = vector.shape_cast %dot_general3A_548 : vector<64x64xf32> to vector<1x1x64x64xf32>
    tpu.vector_store %arg22[%swap3A_549, %swap3A_550, %swap3A_551, %swap3A_552], %swap3A_555 {strides = array<i32>} : memref<8x7x64x64xf32, #tpu.memory_space<vmem>>, vector<1x1x64x64xf32>,
    %slice3A_556 = vector.extract_strided_slice %dot_general3A_544 {offsets = [64, 0], sizes = [64, 257], strides = [1, 1]} : vector<512x257xf32> to vector<64x257xf32>
    %slice3A_557 = vector.extract_strided_slice %concatenate3A_252 {offsets = [64, 0], sizes = [64, 257], strides = [1, 1]} : vector<512x257xf32> to vector<64x257xf32>
    %dot_general3A_558 = arith.constant dense<0.000000e+00> : vector<64x64xf32>
    %dot_general3A_559 = tpu.matmul %slice3A_556, %slice3A_557, %dot_general3A_558 {dimension_numbers = #tpu.dot_dimension_numbers<[1], [1], [0], [0], [0, 0, 1, 0], [], []>, transpose_lhs_hint = false} : vector<64x257xf32>, vector<64x257xf32>, vector<64x64xf32> -> vector<64x64xf32>
    %swap3A_560 = arith.constant 1 : index
    %swap3A_561 = arith.constant 1 : index
    %swap3A_562 = arith.constant 0 : index
    %swap3A_563 = arith.constant 0 : index
    %swap3A_564 = vector.load %arg22[%swap3A_560, %swap3A_561, %swap3A_562, %swap3A_563] : memref<8x7x64x64xf32, #tpu.memory_space<vmem>>, vector<1x1x64x64xf32>
    %swap3A_565 = vector.shape_cast %swap3A_564 : vector<1x1x64x64xf32> to vector<64x64xf32>
    %swap3A_566 = vector.shape_cast %dot_general3A_559 : vector<64x64xf32> to vector<1x1x64x64xf32>
    tpu.vector_store %arg22[%swap3A_560, %swap3A_561, %swap3A_562, %swap3A_563], %swap3A_566 {strides = array<i32>} : memref<8x7x64x64xf32, #tpu.memory_space<vmem>>, vector<1x1x64x64xf32>,
    %slice3A_567 = vector.extract_strided_slice %dot_general3A_544 {offsets = [128, 0], sizes = [64, 257], strides = [1, 1]} : vector<512x257xf32> to vector<64x257xf32>
    %slice3A_568 = vector.extract_strided_slice %concatenate3A_252 {offsets = [128, 0], sizes = [64, 257], strides = [1, 1]} : vector<512x257xf32> to vector<64x257xf32>
    %dot_general3A_569 = arith.constant dense<0.000000e+00> : vector<64x64xf32>
    %dot_general3A_570 = tpu.matmul %slice3A_567, %slice3A_568, %dot_general3A_569 {dimension_numbers = #tpu.dot_dimension_numbers<[1], [1], [0], [0], [0, 0, 1, 0], [], []>, transpose_lhs_hint = false} : vector<64x257xf32>, vector<64x257xf32>, vector<64x64xf32> -> vector<64x64xf32>
    %swap3A_571 = arith.constant 2 : index
    %swap3A_572 = arith.constant 1 : index
    %swap3A_573 = arith.constant 0 : index
    %swap3A_574 = arith.constant 0 : index
    %swap3A_575 = vector.load %arg22[%swap3A_571, %swap3A_572, %swap3A_573, %swap3A_574] : memref<8x7x64x64xf32, #tpu.memory_space<vmem>>, vector<1x1x64x64xf32>
    %swap3A_576 = vector.shape_cast %swap3A_575 : vector<1x1x64x64xf32> to vector<64x64xf32>
    %swap3A_577 = vector.shape_cast %dot_general3A_570 : vector<64x64xf32> to vector<1x1x64x64xf32>
    tpu.vector_store %arg22[%swap3A_571, %swap3A_572, %swap3A_573, %swap3A_574], %swap3A_577 {strides = array<i32>} : memref<8x7x64x64xf32, #tpu.memory_space<vmem>>, vector<1x1x64x64xf32>,
    %slice3A_578 = vector.extract_strided_slice %dot_general3A_544 {offsets = [192, 0], sizes = [64, 257], strides = [1, 1]} : vector<512x257xf32> to vector<64x257xf32>
    %slice3A_579 = vector.extract_strided_slice %concatenate3A_252 {offsets = [192, 0], sizes = [64, 257], strides = [1, 1]} : vector<512x257xf32> to vector<64x257xf32>
    %dot_general3A_580 = arith.constant dense<0.000000e+00> : vector<64x64xf32>
    %dot_general3A_581 = tpu.matmul %slice3A_578, %slice3A_579, %dot_general3A_580 {dimension_numbers = #tpu.dot_dimension_numbers<[1], [1], [0], [0], [0, 0, 1, 0], [], []>, transpose_lhs_hint = false} : vector<64x257xf32>, vector<64x257xf32>, vector<64x64xf32> -> vector<64x64xf32>
    %swap3A_582 = arith.constant 3 : index
    %swap3A_583 = arith.constant 1 : index
    %swap3A_584 = arith.constant 0 : index
    %swap3A_585 = arith.constant 0 : index
    %swap3A_586 = vector.load %arg22[%swap3A_582, %swap3A_583, %swap3A_584, %swap3A_585] : memref<8x7x64x64xf32, #tpu.memory_space<vmem>>, vector<1x1x64x64xf32>
    %swap3A_587 = vector.shape_cast %swap3A_586 : vector<1x1x64x64xf32> to vector<64x64xf32>
    %swap3A_588 = vector.shape_cast %dot_general3A_581 : vector<64x64xf32> to vector<1x1x64x64xf32>
    tpu.vector_store %arg22[%swap3A_582, %swap3A_583, %swap3A_584, %swap3A_585], %swap3A_588 {strides = array<i32>} : memref<8x7x64x64xf32, #tpu.memory_space<vmem>>, vector<1x1x64x64xf32>,
    %slice3A_589 = vector.extract_strided_slice %dot_general3A_544 {offsets = [256, 0], sizes = [64, 257], strides = [1, 1]} : vector<512x257xf32> to vector<64x257xf32>
    %slice3A_590 = vector.extract_strided_slice %concatenate3A_252 {offsets = [256, 0], sizes = [64, 257], strides = [1, 1]} : vector<512x257xf32> to vector<64x257xf32>
    %dot_general3A_591 = arith.constant dense<0.000000e+00> : vector<64x64xf32>
    %dot_general3A_592 = tpu.matmul %slice3A_589, %slice3A_590, %dot_general3A_591 {dimension_numbers = #tpu.dot_dimension_numbers<[1], [1], [0], [0], [0, 0, 1, 0], [], []>, transpose_lhs_hint = false} : vector<64x257xf32>, vector<64x257xf32>, vector<64x64xf32> -> vector<64x64xf32>
    %swap3A_593 = arith.constant 4 : index
    %swap3A_594 = arith.constant 1 : index
    %swap3A_595 = arith.constant 0 : index
    %swap3A_596 = arith.constant 0 : index
    %swap3A_597 = vector.load %arg22[%swap3A_593, %swap3A_594, %swap3A_595, %swap3A_596] : memref<8x7x64x64xf32, #tpu.memory_space<vmem>>, vector<1x1x64x64xf32>
    %swap3A_598 = vector.shape_cast %swap3A_597 : vector<1x1x64x64xf32> to vector<64x64xf32>
    %swap3A_599 = vector.shape_cast %dot_general3A_592 : vector<64x64xf32> to vector<1x1x64x64xf32>
    tpu.vector_store %arg22[%swap3A_593, %swap3A_594, %swap3A_595, %swap3A_596], %swap3A_599 {strides = array<i32>} : memref<8x7x64x64xf32, #tpu.memory_space<vmem>>, vector<1x1x64x64xf32>,
    %slice3A_600 = vector.extract_strided_slice %dot_general3A_544 {offsets = [320, 0], sizes = [64, 257], strides = [1, 1]} : vector<512x257xf32> to vector<64x257xf32>
    %slice3A_601 = vector.extract_strided_slice %concatenate3A_252 {offsets = [320, 0], sizes = [64, 257], strides = [1, 1]} : vector<512x257xf32> to vector<64x257xf32>
    %dot_general3A_602 = arith.constant dense<0.000000e+00> : vector<64x64xf32>
    %dot_general3A_603 = tpu.matmul %slice3A_600, %slice3A_601, %dot_general3A_602 {dimension_numbers = #tpu.dot_dimension_numbers<[1], [1], [0], [0], [0, 0, 1, 0], [], []>, transpose_lhs_hint = false} : vector<64x257xf32>, vector<64x257xf32>, vector<64x64xf32> -> vector<64x64xf32>
    %swap3A_604 = arith.constant 5 : index
    %swap3A_605 = arith.constant 1 : index
    %swap3A_606 = arith.constant 0 : index
    %swap3A_607 = arith.constant 0 : index
    %swap3A_608 = vector.load %arg22[%swap3A_604, %swap3A_605, %swap3A_606, %swap3A_607] : memref<8x7x64x64xf32, #tpu.memory_space<vmem>>, vector<1x1x64x64xf32>
    %swap3A_609 = vector.shape_cast %swap3A_608 : vector<1x1x64x64xf32> to vector<64x64xf32>
    %swap3A_610 = vector.shape_cast %dot_general3A_603 : vector<64x64xf32> to vector<1x1x64x64xf32>
    tpu.vector_store %arg22[%swap3A_604, %swap3A_605, %swap3A_606, %swap3A_607], %swap3A_610 {strides = array<i32>} : memref<8x7x64x64xf32, #tpu.memory_space<vmem>>, vector<1x1x64x64xf32>,
    %slice3A_611 = vector.extract_strided_slice %dot_general3A_544 {offsets = [384, 0], sizes = [64, 257], strides = [1, 1]} : vector<512x257xf32> to vector<64x257xf32>
    %slice3A_612 = vector.extract_strided_slice %concatenate3A_252 {offsets = [384, 0], sizes = [64, 257], strides = [1, 1]} : vector<512x257xf32> to vector<64x257xf32>
    %dot_general3A_613 = arith.constant dense<0.000000e+00> : vector<64x64xf32>
    %dot_general3A_614 = tpu.matmul %slice3A_611, %slice3A_612, %dot_general3A_613 {dimension_numbers = #tpu.dot_dimension_numbers<[1], [1], [0], [0], [0, 0, 1, 0], [], []>, transpose_lhs_hint = false} : vector<64x257xf32>, vector<64x257xf32>, vector<64x64xf32> -> vector<64x64xf32>
    %swap3A_615 = arith.constant 6 : index
    %swap3A_616 = arith.constant 1 : index
    %swap3A_617 = arith.constant 0 : index
    %swap3A_618 = arith.constant 0 : index
    %swap3A_619 = vector.load %arg22[%swap3A_615, %swap3A_616, %swap3A_617, %swap3A_618] : memref<8x7x64x64xf32, #tpu.memory_space<vmem>>, vector<1x1x64x64xf32>
    %swap3A_620 = vector.shape_cast %swap3A_619 : vector<1x1x64x64xf32> to vector<64x64xf32>
    %swap3A_621 = vector.shape_cast %dot_general3A_614 : vector<64x64xf32> to vector<1x1x64x64xf32>
    tpu.vector_store %arg22[%swap3A_615, %swap3A_616, %swap3A_617, %swap3A_618], %swap3A_621 {strides = array<i32>} : memref<8x7x64x64xf32, #tpu.memory_space<vmem>>, vector<1x1x64x64xf32>,
    %slice3A_622 = vector.extract_strided_slice %dot_general3A_544 {offsets = [448, 0], sizes = [64, 257], strides = [1, 1]} : vector<512x257xf32> to vector<64x257xf32>
    %slice3A_623 = vector.extract_strided_slice %concatenate3A_252 {offsets = [448, 0], sizes = [64, 257], strides = [1, 1]} : vector<512x257xf32> to vector<64x257xf32>
    %dot_general3A_624 = arith.constant dense<0.000000e+00> : vector<64x64xf32>
    %dot_general3A_625 = tpu.matmul %slice3A_622, %slice3A_623, %dot_general3A_624 {dimension_numbers = #tpu.dot_dimension_numbers<[1], [1], [0], [0], [0, 0, 1, 0], [], []>, transpose_lhs_hint = false} : vector<64x257xf32>, vector<64x257xf32>, vector<64x64xf32> -> vector<64x64xf32>
    %swap3A_626 = arith.constant 7 : index
    %swap3A_627 = arith.constant 1 : index
    %swap3A_628 = arith.constant 0 : index
    %swap3A_629 = arith.constant 0 : index
    %swap3A_630 = vector.load %arg22[%swap3A_626, %swap3A_627, %swap3A_628, %swap3A_629] : memref<8x7x64x64xf32, #tpu.memory_space<vmem>>, vector<1x1x64x64xf32>
    %swap3A_631 = vector.shape_cast %swap3A_630 : vector<1x1x64x64xf32> to vector<64x64xf32>
    %swap3A_632 = vector.shape_cast %dot_general3A_625 : vector<64x64xf32> to vector<1x1x64x64xf32>
    tpu.vector_store %arg22[%swap3A_626, %swap3A_627, %swap3A_628, %swap3A_629], %swap3A_632 {strides = array<i32>} : memref<8x7x64x64xf32, #tpu.memory_space<vmem>>, vector<1x1x64x64xf32>,
    %get3A_633 = arith.constant 2 : index
    %get3A_634 = arith.constant 0 : index
    %get3A_635 = arith.constant 0 : index
    %get3A_636 = vector.load %arg31[%get3A_633, %get3A_634, %get3A_635] : memref<7x257x257xf32, #tpu.memory_space<vmem>>, vector<1x257x257xf32>
    %get3A_637 = vector.shape_cast %get3A_636 : vector<1x257x257xf32> to vector<257x257xf32>
    %dot_general3A_638 = arith.constant dense<0.000000e+00> : vector<512x257xf32>
    %dot_general3A_639 = tpu.matmul %concatenate3A_251, %get3A_637, %dot_general3A_638 {dimension_numbers = #tpu.dot_dimension_numbers<[1], [0], [0], [1], [0, 0, 1, 1], [], []>, transpose_lhs_hint = false} : vector<512x257xf32>, vector<257x257xf32>, vector<512x257xf32> -> vector<512x257xf32>
    %slice3A_640 = vector.extract_strided_slice %dot_general3A_639 {offsets = [0, 0], sizes = [64, 257], strides = [1, 1]} : vector<512x257xf32> to vector<64x257xf32>
    %slice3A_641 = vector.extract_strided_slice %concatenate3A_252 {offsets = [0, 0], sizes = [64, 257], strides = [1, 1]} : vector<512x257xf32> to vector<64x257xf32>
    %dot_general3A_642 = arith.constant dense<0.000000e+00> : vector<64x64xf32>
    %dot_general3A_643 = tpu.matmul %slice3A_640, %slice3A_641, %dot_general3A_642 {dimension_numbers = #tpu.dot_dimension_numbers<[1], [1], [0], [0], [0, 0, 1, 0], [], []>, transpose_lhs_hint = false} : vector<64x257xf32>, vector<64x257xf32>, vector<64x64xf32> -> vector<64x64xf32>
    %swap3A_644 = arith.constant 0 : index
    %swap3A_645 = arith.constant 2 : index
    %swap3A_646 = arith.constant 0 : index
    %swap3A_647 = arith.constant 0 : index
    %swap3A_648 = vector.load %arg22[%swap3A_644, %swap3A_645, %swap3A_646, %swap3A_647] : memref<8x7x64x64xf32, #tpu.memory_space<vmem>>, vector<1x1x64x64xf32>
    %swap3A_649 = vector.shape_cast %swap3A_648 : vector<1x1x64x64xf32> to vector<64x64xf32>
    %swap3A_650 = vector.shape_cast %dot_general3A_643 : vector<64x64xf32> to vector<1x1x64x64xf32>
    tpu.vector_store %arg22[%swap3A_644, %swap3A_645, %swap3A_646, %swap3A_647], %swap3A_650 {strides = array<i32>} : memref<8x7x64x64xf32, #tpu.memory_space<vmem>>, vector<1x1x64x64xf32>,
    %slice3A_651 = vector.extract_strided_slice %dot_general3A_639 {offsets = [64, 0], sizes = [64, 257], strides = [1, 1]} : vector<512x257xf32> to vector<64x257xf32>
    %slice3A_652 = vector.extract_strided_slice %concatenate3A_252 {offsets = [64, 0], sizes = [64, 257], strides = [1, 1]} : vector<512x257xf32> to vector<64x257xf32>
    %dot_general3A_653 = arith.constant dense<0.000000e+00> : vector<64x64xf32>
    %dot_general3A_654 = tpu.matmul %slice3A_651, %slice3A_652, %dot_general3A_653 {dimension_numbers = #tpu.dot_dimension_numbers<[1], [1], [0], [0], [0, 0, 1, 0], [], []>, transpose_lhs_hint = false} : vector<64x257xf32>, vector<64x257xf32>, vector<64x64xf32> -> vector<64x64xf32>
    %swap3A_655 = arith.constant 1 : index
    %swap3A_656 = arith.constant 2 : index
    %swap3A_657 = arith.constant 0 : index
    %swap3A_658 = arith.constant 0 : index
    %swap3A_659 = vector.load %arg22[%swap3A_655, %swap3A_656, %swap3A_657, %swap3A_658] : memref<8x7x64x64xf32, #tpu.memory_space<vmem>>, vector<1x1x64x64xf32>
    %swap3A_660 = vector.shape_cast %swap3A_659 : vector<1x1x64x64xf32> to vector<64x64xf32>
    %swap3A_661 = vector.shape_cast %dot_general3A_654 : vector<64x64xf32> to vector<1x1x64x64xf32>
    tpu.vector_store %arg22[%swap3A_655, %swap3A_656, %swap3A_657, %swap3A_658], %swap3A_661 {strides = array<i32>} : memref<8x7x64x64xf32, #tpu.memory_space<vmem>>, vector<1x1x64x64xf32>,
    %slice3A_662 = vector.extract_strided_slice %dot_general3A_639 {offsets = [128, 0], sizes = [64, 257], strides = [1, 1]} : vector<512x257xf32> to vector<64x257xf32>
    %slice3A_663 = vector.extract_strided_slice %concatenate3A_252 {offsets = [128, 0], sizes = [64, 257], strides = [1, 1]} : vector<512x257xf32> to vector<64x257xf32>
    %dot_general3A_664 = arith.constant dense<0.000000e+00> : vector<64x64xf32>
    %dot_general3A_665 = tpu.matmul %slice3A_662, %slice3A_663, %dot_general3A_664 {dimension_numbers = #tpu.dot_dimension_numbers<[1], [1], [0], [0], [0, 0, 1, 0], [], []>, transpose_lhs_hint = false} : vector<64x257xf32>, vector<64x257xf32>, vector<64x64xf32> -> vector<64x64xf32>
    %swap3A_666 = arith.constant 2 : index
    %swap3A_667 = arith.constant 2 : index
    %swap3A_668 = arith.constant 0 : index
    %swap3A_669 = arith.constant 0 : index
    %swap3A_670 = vector.load %arg22[%swap3A_666, %swap3A_667, %swap3A_668, %swap3A_669] : memref<8x7x64x64xf32, #tpu.memory_space<vmem>>, vector<1x1x64x64xf32>
    %swap3A_671 = vector.shape_cast %swap3A_670 : vector<1x1x64x64xf32> to vector<64x64xf32>
    %swap3A_672 = vector.shape_cast %dot_general3A_665 : vector<64x64xf32> to vector<1x1x64x64xf32>
    tpu.vector_store %arg22[%swap3A_666, %swap3A_667, %swap3A_668, %swap3A_669], %swap3A_672 {strides = array<i32>} : memref<8x7x64x64xf32, #tpu.memory_space<vmem>>, vector<1x1x64x64xf32>,
    %slice3A_673 = vector.extract_strided_slice %dot_general3A_639 {offsets = [192, 0], sizes = [64, 257], strides = [1, 1]} : vector<512x257xf32> to vector<64x257xf32>
    %slice3A_674 = vector.extract_strided_slice %concatenate3A_252 {offsets = [192, 0], sizes = [64, 257], strides = [1, 1]} : vector<512x257xf32> to vector<64x257xf32>
    %dot_general3A_675 = arith.constant dense<0.000000e+00> : vector<64x64xf32>
    %dot_general3A_676 = tpu.matmul %slice3A_673, %slice3A_674, %dot_general3A_675 {dimension_numbers = #tpu.dot_dimension_numbers<[1], [1], [0], [0], [0, 0, 1, 0], [], []>, transpose_lhs_hint = false} : vector<64x257xf32>, vector<64x257xf32>, vector<64x64xf32> -> vector<64x64xf32>
    %swap3A_677 = arith.constant 3 : index
    %swap3A_678 = arith.constant 2 : index
    %swap3A_679 = arith.constant 0 : index
    %swap3A_680 = arith.constant 0 : index
    %swap3A_681 = vector.load %arg22[%swap3A_677, %swap3A_678, %swap3A_679, %swap3A_680] : memref<8x7x64x64xf32, #tpu.memory_space<vmem>>, vector<1x1x64x64xf32>
    %swap3A_682 = vector.shape_cast %swap3A_681 : vector<1x1x64x64xf32> to vector<64x64xf32>
    %swap3A_683 = vector.shape_cast %dot_general3A_676 : vector<64x64xf32> to vector<1x1x64x64xf32>
    tpu.vector_store %arg22[%swap3A_677, %swap3A_678, %swap3A_679, %swap3A_680], %swap3A_683 {strides = array<i32>} : memref<8x7x64x64xf32, #tpu.memory_space<vmem>>, vector<1x1x64x64xf32>,
    %slice3A_684 = vector.extract_strided_slice %dot_general3A_639 {offsets = [256, 0], sizes = [64, 257], strides = [1, 1]} : vector<512x257xf32> to vector<64x257xf32>
    %slice3A_685 = vector.extract_strided_slice %concatenate3A_252 {offsets = [256, 0], sizes = [64, 257], strides = [1, 1]} : vector<512x257xf32> to vector<64x257xf32>
    %dot_general3A_686 = arith.constant dense<0.000000e+00> : vector<64x64xf32>
    %dot_general3A_687 = tpu.matmul %slice3A_684, %slice3A_685, %dot_general3A_686 {dimension_numbers = #tpu.dot_dimension_numbers<[1], [1], [0], [0], [0, 0, 1, 0], [], []>, transpose_lhs_hint = false} : vector<64x257xf32>, vector<64x257xf32>, vector<64x64xf32> -> vector<64x64xf32>
    %swap3A_688 = arith.constant 4 : index
    %swap3A_689 = arith.constant 2 : index
    %swap3A_690 = arith.constant 0 : index
    %swap3A_691 = arith.constant 0 : index
    %swap3A_692 = vector.load %arg22[%swap3A_688, %swap3A_689, %swap3A_690, %swap3A_691] : memref<8x7x64x64xf32, #tpu.memory_space<vmem>>, vector<1x1x64x64xf32>
    %swap3A_693 = vector.shape_cast %swap3A_692 : vector<1x1x64x64xf32> to vector<64x64xf32>
    %swap3A_694 = vector.shape_cast %dot_general3A_687 : vector<64x64xf32> to vector<1x1x64x64xf32>
    tpu.vector_store %arg22[%swap3A_688, %swap3A_689, %swap3A_690, %swap3A_691], %swap3A_694 {strides = array<i32>} : memref<8x7x64x64xf32, #tpu.memory_space<vmem>>, vector<1x1x64x64xf32>,
    %slice3A_695 = vector.extract_strided_slice %dot_general3A_639 {offsets = [320, 0], sizes = [64, 257], strides = [1, 1]} : vector<512x257xf32> to vector<64x257xf32>
    %slice3A_696 = vector.extract_strided_slice %concatenate3A_252 {offsets = [320, 0], sizes = [64, 257], strides = [1, 1]} : vector<512x257xf32> to vector<64x257xf32>
    %dot_general3A_697 = arith.constant dense<0.000000e+00> : vector<64x64xf32>
    %dot_general3A_698 = tpu.matmul %slice3A_695, %slice3A_696, %dot_general3A_697 {dimension_numbers = #tpu.dot_dimension_numbers<[1], [1], [0], [0], [0, 0, 1, 0], [], []>, transpose_lhs_hint = false} : vector<64x257xf32>, vector<64x257xf32>, vector<64x64xf32> -> vector<64x64xf32>
    %swap3A_699 = arith.constant 5 : index
    %swap3A_700 = arith.constant 2 : index
    %swap3A_701 = arith.constant 0 : index
    %swap3A_702 = arith.constant 0 : index
    %swap3A_703 = vector.load %arg22[%swap3A_699, %swap3A_700, %swap3A_701, %swap3A_702] : memref<8x7x64x64xf32, #tpu.memory_space<vmem>>, vector<1x1x64x64xf32>
    %swap3A_704 = vector.shape_cast %swap3A_703 : vector<1x1x64x64xf32> to vector<64x64xf32>
    %swap3A_705 = vector.shape_cast %dot_general3A_698 : vector<64x64xf32> to vector<1x1x64x64xf32>
    tpu.vector_store %arg22[%swap3A_699, %swap3A_700, %swap3A_701, %swap3A_702], %swap3A_705 {strides = array<i32>} : memref<8x7x64x64xf32, #tpu.memory_space<vmem>>, vector<1x1x64x64xf32>,
    %slice3A_706 = vector.extract_strided_slice %dot_general3A_639 {offsets = [384, 0], sizes = [64, 257], strides = [1, 1]} : vector<512x257xf32> to vector<64x257xf32>
    %slice3A_707 = vector.extract_strided_slice %concatenate3A_252 {offsets = [384, 0], sizes = [64, 257], strides = [1, 1]} : vector<512x257xf32> to vector<64x257xf32>
    %dot_general3A_708 = arith.constant dense<0.000000e+00> : vector<64x64xf32>
    %dot_general3A_709 = tpu.matmul %slice3A_706, %slice3A_707, %dot_general3A_708 {dimension_numbers = #tpu.dot_dimension_numbers<[1], [1], [0], [0], [0, 0, 1, 0], [], []>, transpose_lhs_hint = false} : vector<64x257xf32>, vector<64x257xf32>, vector<64x64xf32> -> vector<64x64xf32>
    %swap3A_710 = arith.constant 6 : index
    %swap3A_711 = arith.constant 2 : index
    %swap3A_712 = arith.constant 0 : index
    %swap3A_713 = arith.constant 0 : index
    %swap3A_714 = vector.load %arg22[%swap3A_710, %swap3A_711, %swap3A_712, %swap3A_713] : memref<8x7x64x64xf32, #tpu.memory_space<vmem>>, vector<1x1x64x64xf32>
    %swap3A_715 = vector.shape_cast %swap3A_714 : vector<1x1x64x64xf32> to vector<64x64xf32>
    %swap3A_716 = vector.shape_cast %dot_general3A_709 : vector<64x64xf32> to vector<1x1x64x64xf32>
    tpu.vector_store %arg22[%swap3A_710, %swap3A_711, %swap3A_712, %swap3A_713], %swap3A_716 {strides = array<i32>} : memref<8x7x64x64xf32, #tpu.memory_space<vmem>>, vector<1x1x64x64xf32>,
    %slice3A_717 = vector.extract_strided_slice %dot_general3A_639 {offsets = [448, 0], sizes = [64, 257], strides = [1, 1]} : vector<512x257xf32> to vector<64x257xf32>
    %slice3A_718 = vector.extract_strided_slice %concatenate3A_252 {offsets = [448, 0], sizes = [64, 257], strides = [1, 1]} : vector<512x257xf32> to vector<64x257xf32>
    %dot_general3A_719 = arith.constant dense<0.000000e+00> : vector<64x64xf32>
    %dot_general3A_720 = tpu.matmul %slice3A_717, %slice3A_718, %dot_general3A_719 {dimension_numbers = #tpu.dot_dimension_numbers<[1], [1], [0], [0], [0, 0, 1, 0], [], []>, transpose_lhs_hint = false} : vector<64x257xf32>, vector<64x257xf32>, vector<64x64xf32> -> vector<64x64xf32>
    %swap3A_721 = arith.constant 7 : index
    %swap3A_722 = arith.constant 2 : index
    %swap3A_723 = arith.constant 0 : index
    %swap3A_724 = arith.constant 0 : index
    %swap3A_725 = vector.load %arg22[%swap3A_721, %swap3A_722, %swap3A_723, %swap3A_724] : memref<8x7x64x64xf32, #tpu.memory_space<vmem>>, vector<1x1x64x64xf32>
    %swap3A_726 = vector.shape_cast %swap3A_725 : vector<1x1x64x64xf32> to vector<64x64xf32>
    %swap3A_727 = vector.shape_cast %dot_general3A_720 : vector<64x64xf32> to vector<1x1x64x64xf32>
    tpu.vector_store %arg22[%swap3A_721, %swap3A_722, %swap3A_723, %swap3A_724], %swap3A_727 {strides = array<i32>} : memref<8x7x64x64xf32, #tpu.memory_space<vmem>>, vector<1x1x64x64xf32>,
    %get3A_728 = arith.constant 3 : index
    %get3A_729 = arith.constant 0 : index
    %get3A_730 = arith.constant 0 : index
    %get3A_731 = vector.load %arg31[%get3A_728, %get3A_729, %get3A_730] : memref<7x257x257xf32, #tpu.memory_space<vmem>>, vector<1x257x257xf32>
    %get3A_732 = vector.shape_cast %get3A_731 : vector<1x257x257xf32> to vector<257x257xf32>
    %dot_general3A_733 = arith.constant dense<0.000000e+00> : vector<512x257xf32>
    %dot_general3A_734 = tpu.matmul %concatenate3A_251, %get3A_732, %dot_general3A_733 {dimension_numbers = #tpu.dot_dimension_numbers<[1], [0], [0], [1], [0, 0, 1, 1], [], []>, transpose_lhs_hint = false} : vector<512x257xf32>, vector<257x257xf32>, vector<512x257xf32> -> vector<512x257xf32>
    %slice3A_735 = vector.extract_strided_slice %dot_general3A_734 {offsets = [0, 0], sizes = [64, 257], strides = [1, 1]} : vector<512x257xf32> to vector<64x257xf32>
    %slice3A_736 = vector.extract_strided_slice %concatenate3A_252 {offsets = [0, 0], sizes = [64, 257], strides = [1, 1]} : vector<512x257xf32> to vector<64x257xf32>
    %dot_general3A_737 = arith.constant dense<0.000000e+00> : vector<64x64xf32>
    %dot_general3A_738 = tpu.matmul %slice3A_735, %slice3A_736, %dot_general3A_737 {dimension_numbers = #tpu.dot_dimension_numbers<[1], [1], [0], [0], [0, 0, 1, 0], [], []>, transpose_lhs_hint = false} : vector<64x257xf32>, vector<64x257xf32>, vector<64x64xf32> -> vector<64x64xf32>
    %swap3A_739 = arith.constant 0 : index
    %swap3A_740 = arith.constant 3 : index
    %swap3A_741 = arith.constant 0 : index
    %swap3A_742 = arith.constant 0 : index
    %swap3A_743 = vector.load %arg22[%swap3A_739, %swap3A_740, %swap3A_741, %swap3A_742] : memref<8x7x64x64xf32, #tpu.memory_space<vmem>>, vector<1x1x64x64xf32>
    %swap3A_744 = vector.shape_cast %swap3A_743 : vector<1x1x64x64xf32> to vector<64x64xf32>
    %swap3A_745 = vector.shape_cast %dot_general3A_738 : vector<64x64xf32> to vector<1x1x64x64xf32>
    tpu.vector_store %arg22[%swap3A_739, %swap3A_740, %swap3A_741, %swap3A_742], %swap3A_745 {strides = array<i32>} : memref<8x7x64x64xf32, #tpu.memory_space<vmem>>, vector<1x1x64x64xf32>,
    %slice3A_746 = vector.extract_strided_slice %dot_general3A_734 {offsets = [64, 0], sizes = [64, 257], strides = [1, 1]} : vector<512x257xf32> to vector<64x257xf32>
    %slice3A_747 = vector.extract_strided_slice %concatenate3A_252 {offsets = [64, 0], sizes = [64, 257], strides = [1, 1]} : vector<512x257xf32> to vector<64x257xf32>
    %dot_general3A_748 = arith.constant dense<0.000000e+00> : vector<64x64xf32>
    %dot_general3A_749 = tpu.matmul %slice3A_746, %slice3A_747, %dot_general3A_748 {dimension_numbers = #tpu.dot_dimension_numbers<[1], [1], [0], [0], [0, 0, 1, 0], [], []>, transpose_lhs_hint = false} : vector<64x257xf32>, vector<64x257xf32>, vector<64x64xf32> -> vector<64x64xf32>
    %swap3A_750 = arith.constant 1 : index
    %swap3A_751 = arith.constant 3 : index
    %swap3A_752 = arith.constant 0 : index
    %swap3A_753 = arith.constant 0 : index
    %swap3A_754 = vector.load %arg22[%swap3A_750, %swap3A_751, %swap3A_752, %swap3A_753] : memref<8x7x64x64xf32, #tpu.memory_space<vmem>>, vector<1x1x64x64xf32>
    %swap3A_755 = vector.shape_cast %swap3A_754 : vector<1x1x64x64xf32> to vector<64x64xf32>
    %swap3A_756 = vector.shape_cast %dot_general3A_749 : vector<64x64xf32> to vector<1x1x64x64xf32>
    tpu.vector_store %arg22[%swap3A_750, %swap3A_751, %swap3A_752, %swap3A_753], %swap3A_756 {strides = array<i32>} : memref<8x7x64x64xf32, #tpu.memory_space<vmem>>, vector<1x1x64x64xf32>,
    %slice3A_757 = vector.extract_strided_slice %dot_general3A_734 {offsets = [128, 0], sizes = [64, 257], strides = [1, 1]} : vector<512x257xf32> to vector<64x257xf32>
    %slice3A_758 = vector.extract_strided_slice %concatenate3A_252 {offsets = [128, 0], sizes = [64, 257], strides = [1, 1]} : vector<512x257xf32> to vector<64x257xf32>
    %dot_general3A_759 = arith.constant dense<0.000000e+00> : vector<64x64xf32>
    %dot_general3A_760 = tpu.matmul %slice3A_757, %slice3A_758, %dot_general3A_759 {dimension_numbers = #tpu.dot_dimension_numbers<[1], [1], [0], [0], [0, 0, 1, 0], [], []>, transpose_lhs_hint = false} : vector<64x257xf32>, vector<64x257xf32>, vector<64x64xf32> -> vector<64x64xf32>
    %swap3A_761 = arith.constant 2 : index
    %swap3A_762 = arith.constant 3 : index
    %swap3A_763 = arith.constant 0 : index
    %swap3A_764 = arith.constant 0 : index
    %swap3A_765 = vector.load %arg22[%swap3A_761, %swap3A_762, %swap3A_763, %swap3A_764] : memref<8x7x64x64xf32, #tpu.memory_space<vmem>>, vector<1x1x64x64xf32>
    %swap3A_766 = vector.shape_cast %swap3A_765 : vector<1x1x64x64xf32> to vector<64x64xf32>
    %swap3A_767 = vector.shape_cast %dot_general3A_760 : vector<64x64xf32> to vector<1x1x64x64xf32>
    tpu.vector_store %arg22[%swap3A_761, %swap3A_762, %swap3A_763, %swap3A_764], %swap3A_767 {strides = array<i32>} : memref<8x7x64x64xf32, #tpu.memory_space<vmem>>, vector<1x1x64x64xf32>,
    %slice3A_768 = vector.extract_strided_slice %dot_general3A_734 {offsets = [192, 0], sizes = [64, 257], strides = [1, 1]} : vector<512x257xf32> to vector<64x257xf32>
    %slice3A_769 = vector.extract_strided_slice %concatenate3A_252 {offsets = [192, 0], sizes = [64, 257], strides = [1, 1]} : vector<512x257xf32> to vector<64x257xf32>
    %dot_general3A_770 = arith.constant dense<0.000000e+00> : vector<64x64xf32>
    %dot_general3A_771 = tpu.matmul %slice3A_768, %slice3A_769, %dot_general3A_770 {dimension_numbers = #tpu.dot_dimension_numbers<[1], [1], [0], [0], [0, 0, 1, 0], [], []>, transpose_lhs_hint = false} : vector<64x257xf32>, vector<64x257xf32>, vector<64x64xf32> -> vector<64x64xf32>
    %swap3A_772 = arith.constant 3 : index
    %swap3A_773 = arith.constant 3 : index
    %swap3A_774 = arith.constant 0 : index
    %swap3A_775 = arith.constant 0 : index
    %swap3A_776 = vector.load %arg22[%swap3A_772, %swap3A_773, %swap3A_774, %swap3A_775] : memref<8x7x64x64xf32, #tpu.memory_space<vmem>>, vector<1x1x64x64xf32>
    %swap3A_777 = vector.shape_cast %swap3A_776 : vector<1x1x64x64xf32> to vector<64x64xf32>
    %swap3A_778 = vector.shape_cast %dot_general3A_771 : vector<64x64xf32> to vector<1x1x64x64xf32>
    tpu.vector_store %arg22[%swap3A_772, %swap3A_773, %swap3A_774, %swap3A_775], %swap3A_778 {strides = array<i32>} : memref<8x7x64x64xf32, #tpu.memory_space<vmem>>, vector<1x1x64x64xf32>,
    %slice3A_779 = vector.extract_strided_slice %dot_general3A_734 {offsets = [256, 0], sizes = [64, 257], strides = [1, 1]} : vector<512x257xf32> to vector<64x257xf32>
    %slice3A_780 = vector.extract_strided_slice %concatenate3A_252 {offsets = [256, 0], sizes = [64, 257], strides = [1, 1]} : vector<512x257xf32> to vector<64x257xf32>
    %dot_general3A_781 = arith.constant dense<0.000000e+00> : vector<64x64xf32>
    %dot_general3A_782 = tpu.matmul %slice3A_779, %slice3A_780, %dot_general3A_781 {dimension_numbers = #tpu.dot_dimension_numbers<[1], [1], [0], [0], [0, 0, 1, 0], [], []>, transpose_lhs_hint = false} : vector<64x257xf32>, vector<64x257xf32>, vector<64x64xf32> -> vector<64x64xf32>
    %swap3A_783 = arith.constant 4 : index
    %swap3A_784 = arith.constant 3 : index
    %swap3A_785 = arith.constant 0 : index
    %swap3A_786 = arith.constant 0 : index
    %swap3A_787 = vector.load %arg22[%swap3A_783, %swap3A_784, %swap3A_785, %swap3A_786] : memref<8x7x64x64xf32, #tpu.memory_space<vmem>>, vector<1x1x64x64xf32>
    %swap3A_788 = vector.shape_cast %swap3A_787 : vector<1x1x64x64xf32> to vector<64x64xf32>
    %swap3A_789 = vector.shape_cast %dot_general3A_782 : vector<64x64xf32> to vector<1x1x64x64xf32>
    tpu.vector_store %arg22[%swap3A_783, %swap3A_784, %swap3A_785, %swap3A_786], %swap3A_789 {strides = array<i32>} : memref<8x7x64x64xf32, #tpu.memory_space<vmem>>, vector<1x1x64x64xf32>,
    %slice3A_790 = vector.extract_strided_slice %dot_general3A_734 {offsets = [320, 0], sizes = [64, 257], strides = [1, 1]} : vector<512x257xf32> to vector<64x257xf32>
    %slice3A_791 = vector.extract_strided_slice %concatenate3A_252 {offsets = [320, 0], sizes = [64, 257], strides = [1, 1]} : vector<512x257xf32> to vector<64x257xf32>
    %dot_general3A_792 = arith.constant dense<0.000000e+00> : vector<64x64xf32>
    %dot_general3A_793 = tpu.matmul %slice3A_790, %slice3A_791, %dot_general3A_792 {dimension_numbers = #tpu.dot_dimension_numbers<[1], [1], [0], [0], [0, 0, 1, 0], [], []>, transpose_lhs_hint = false} : vector<64x257xf32>, vector<64x257xf32>, vector<64x64xf32> -> vector<64x64xf32>
    %swap3A_794 = arith.constant 5 : index
    %swap3A_795 = arith.constant 3 : index
    %swap3A_796 = arith.constant 0 : index
    %swap3A_797 = arith.constant 0 : index
    %swap3A_798 = vector.load %arg22[%swap3A_794, %swap3A_795, %swap3A_796, %swap3A_797] : memref<8x7x64x64xf32, #tpu.memory_space<vmem>>, vector<1x1x64x64xf32>
    %swap3A_799 = vector.shape_cast %swap3A_798 : vector<1x1x64x64xf32> to vector<64x64xf32>
    %swap3A_800 = vector.shape_cast %dot_general3A_793 : vector<64x64xf32> to vector<1x1x64x64xf32>
    tpu.vector_store %arg22[%swap3A_794, %swap3A_795, %swap3A_796, %swap3A_797], %swap3A_800 {strides = array<i32>} : memref<8x7x64x64xf32, #tpu.memory_space<vmem>>, vector<1x1x64x64xf32>,
    %slice3A_801 = vector.extract_strided_slice %dot_general3A_734 {offsets = [384, 0], sizes = [64, 257], strides = [1, 1]} : vector<512x257xf32> to vector<64x257xf32>
    %slice3A_802 = vector.extract_strided_slice %concatenate3A_252 {offsets = [384, 0], sizes = [64, 257], strides = [1, 1]} : vector<512x257xf32> to vector<64x257xf32>
    %dot_general3A_803 = arith.constant dense<0.000000e+00> : vector<64x64xf32>
    %dot_general3A_804 = tpu.matmul %slice3A_801, %slice3A_802, %dot_general3A_803 {dimension_numbers = #tpu.dot_dimension_numbers<[1], [1], [0], [0], [0, 0, 1, 0], [], []>, transpose_lhs_hint = false} : vector<64x257xf32>, vector<64x257xf32>, vector<64x64xf32> -> vector<64x64xf32>
    %swap3A_805 = arith.constant 6 : index
    %swap3A_806 = arith.constant 3 : index
    %swap3A_807 = arith.constant 0 : index
    %swap3A_808 = arith.constant 0 : index
    %swap3A_809 = vector.load %arg22[%swap3A_805, %swap3A_806, %swap3A_807, %swap3A_808] : memref<8x7x64x64xf32, #tpu.memory_space<vmem>>, vector<1x1x64x64xf32>
    %swap3A_810 = vector.shape_cast %swap3A_809 : vector<1x1x64x64xf32> to vector<64x64xf32>
    %swap3A_811 = vector.shape_cast %dot_general3A_804 : vector<64x64xf32> to vector<1x1x64x64xf32>
    tpu.vector_store %arg22[%swap3A_805, %swap3A_806, %swap3A_807, %swap3A_808], %swap3A_811 {strides = array<i32>} : memref<8x7x64x64xf32, #tpu.memory_space<vmem>>, vector<1x1x64x64xf32>,
    %slice3A_812 = vector.extract_strided_slice %dot_general3A_734 {offsets = [448, 0], sizes = [64, 257], strides = [1, 1]} : vector<512x257xf32> to vector<64x257xf32>
    %slice3A_813 = vector.extract_strided_slice %concatenate3A_252 {offsets = [448, 0], sizes = [64, 257], strides = [1, 1]} : vector<512x257xf32> to vector<64x257xf32>
    %dot_general3A_814 = arith.constant dense<0.000000e+00> : vector<64x64xf32>
    %dot_general3A_815 = tpu.matmul %slice3A_812, %slice3A_813, %dot_general3A_814 {dimension_numbers = #tpu.dot_dimension_numbers<[1], [1], [0], [0], [0, 0, 1, 0], [], []>, transpose_lhs_hint = false} : vector<64x257xf32>, vector<64x257xf32>, vector<64x64xf32> -> vector<64x64xf32>
    %swap3A_816 = arith.constant 7 : index
    %swap3A_817 = arith.constant 3 : index
    %swap3A_818 = arith.constant 0 : index
    %swap3A_819 = arith.constant 0 : index
    %swap3A_820 = vector.load %arg22[%swap3A_816, %swap3A_817, %swap3A_818, %swap3A_819] : memref<8x7x64x64xf32, #tpu.memory_space<vmem>>, vector<1x1x64x64xf32>
    %swap3A_821 = vector.shape_cast %swap3A_820 : vector<1x1x64x64xf32> to vector<64x64xf32>
    %swap3A_822 = vector.shape_cast %dot_general3A_815 : vector<64x64xf32> to vector<1x1x64x64xf32>
    tpu.vector_store %arg22[%swap3A_816, %swap3A_817, %swap3A_818, %swap3A_819], %swap3A_822 {strides = array<i32>} : memref<8x7x64x64xf32, #tpu.memory_space<vmem>>, vector<1x1x64x64xf32>,
    %get3A_823 = arith.constant 4 : index
    %get3A_824 = arith.constant 0 : index
    %get3A_825 = arith.constant 0 : index
    %get3A_826 = vector.load %arg31[%get3A_823, %get3A_824, %get3A_825] : memref<7x257x257xf32, #tpu.memory_space<vmem>>, vector<1x257x257xf32>
    %get3A_827 = vector.shape_cast %get3A_826 : vector<1x257x257xf32> to vector<257x257xf32>
    %dot_general3A_828 = arith.constant dense<0.000000e+00> : vector<512x257xf32>
    %dot_general3A_829 = tpu.matmul %concatenate3A_251, %get3A_827, %dot_general3A_828 {dimension_numbers = #tpu.dot_dimension_numbers<[1], [0], [0], [1], [0, 0, 1, 1], [], []>, transpose_lhs_hint = false} : vector<512x257xf32>, vector<257x257xf32>, vector<512x257xf32> -> vector<512x257xf32>
    %slice3A_830 = vector.extract_strided_slice %dot_general3A_829 {offsets = [0, 0], sizes = [64, 257], strides = [1, 1]} : vector<512x257xf32> to vector<64x257xf32>
    %slice3A_831 = vector.extract_strided_slice %concatenate3A_252 {offsets = [0, 0], sizes = [64, 257], strides = [1, 1]} : vector<512x257xf32> to vector<64x257xf32>
    %dot_general3A_832 = arith.constant dense<0.000000e+00> : vector<64x64xf32>
    %dot_general3A_833 = tpu.matmul %slice3A_830, %slice3A_831, %dot_general3A_832 {dimension_numbers = #tpu.dot_dimension_numbers<[1], [1], [0], [0], [0, 0, 1, 0], [], []>, transpose_lhs_hint = false} : vector<64x257xf32>, vector<64x257xf32>, vector<64x64xf32> -> vector<64x64xf32>
    %swap3A_834 = arith.constant 0 : index
    %swap3A_835 = arith.constant 4 : index
    %swap3A_836 = arith.constant 0 : index
    %swap3A_837 = arith.constant 0 : index
    %swap3A_838 = vector.load %arg22[%swap3A_834, %swap3A_835, %swap3A_836, %swap3A_837] : memref<8x7x64x64xf32, #tpu.memory_space<vmem>>, vector<1x1x64x64xf32>
    %swap3A_839 = vector.shape_cast %swap3A_838 : vector<1x1x64x64xf32> to vector<64x64xf32>
    %swap3A_840 = vector.shape_cast %dot_general3A_833 : vector<64x64xf32> to vector<1x1x64x64xf32>
    tpu.vector_store %arg22[%swap3A_834, %swap3A_835, %swap3A_836, %swap3A_837], %swap3A_840 {strides = array<i32>} : memref<8x7x64x64xf32, #tpu.memory_space<vmem>>, vector<1x1x64x64xf32>,
    %slice3A_841 = vector.extract_strided_slice %dot_general3A_829 {offsets = [64, 0], sizes = [64, 257], strides = [1, 1]} : vector<512x257xf32> to vector<64x257xf32>
    %slice3A_842 = vector.extract_strided_slice %concatenate3A_252 {offsets = [64, 0], sizes = [64, 257], strides = [1, 1]} : vector<512x257xf32> to vector<64x257xf32>
    %dot_general3A_843 = arith.constant dense<0.000000e+00> : vector<64x64xf32>
    %dot_general3A_844 = tpu.matmul %slice3A_841, %slice3A_842, %dot_general3A_843 {dimension_numbers = #tpu.dot_dimension_numbers<[1], [1], [0], [0], [0, 0, 1, 0], [], []>, transpose_lhs_hint = false} : vector<64x257xf32>, vector<64x257xf32>, vector<64x64xf32> -> vector<64x64xf32>
    %swap3A_845 = arith.constant 1 : index
    %swap3A_846 = arith.constant 4 : index
    %swap3A_847 = arith.constant 0 : index
    %swap3A_848 = arith.constant 0 : index
    %swap3A_849 = vector.load %arg22[%swap3A_845, %swap3A_846, %swap3A_847, %swap3A_848] : memref<8x7x64x64xf32, #tpu.memory_space<vmem>>, vector<1x1x64x64xf32>
    %swap3A_850 = vector.shape_cast %swap3A_849 : vector<1x1x64x64xf32> to vector<64x64xf32>
    %swap3A_851 = vector.shape_cast %dot_general3A_844 : vector<64x64xf32> to vector<1x1x64x64xf32>
    tpu.vector_store %arg22[%swap3A_845, %swap3A_846, %swap3A_847, %swap3A_848], %swap3A_851 {strides = array<i32>} : memref<8x7x64x64xf32, #tpu.memory_space<vmem>>, vector<1x1x64x64xf32>,
    %slice3A_852 = vector.extract_strided_slice %dot_general3A_829 {offsets = [128, 0], sizes = [64, 257], strides = [1, 1]} : vector<512x257xf32> to vector<64x257xf32>
    %slice3A_853 = vector.extract_strided_slice %concatenate3A_252 {offsets = [128, 0], sizes = [64, 257], strides = [1, 1]} : vector<512x257xf32> to vector<64x257xf32>
    %dot_general3A_854 = arith.constant dense<0.000000e+00> : vector<64x64xf32>
    %dot_general3A_855 = tpu.matmul %slice3A_852, %slice3A_853, %dot_general3A_854 {dimension_numbers = #tpu.dot_dimension_numbers<[1], [1], [0], [0], [0, 0, 1, 0], [], []>, transpose_lhs_hint = false} : vector<64x257xf32>, vector<64x257xf32>, vector<64x64xf32> -> vector<64x64xf32>
    %swap3A_856 = arith.constant 2 : index
    %swap3A_857 = arith.constant 4 : index
    %swap3A_858 = arith.constant 0 : index
    %swap3A_859 = arith.constant 0 : index
    %swap3A_860 = vector.load %arg22[%swap3A_856, %swap3A_857, %swap3A_858, %swap3A_859] : memref<8x7x64x64xf32, #tpu.memory_space<vmem>>, vector<1x1x64x64xf32>
    %swap3A_861 = vector.shape_cast %swap3A_860 : vector<1x1x64x64xf32> to vector<64x64xf32>
    %swap3A_862 = vector.shape_cast %dot_general3A_855 : vector<64x64xf32> to vector<1x1x64x64xf32>
    tpu.vector_store %arg22[%swap3A_856, %swap3A_857, %swap3A_858, %swap3A_859], %swap3A_862 {strides = array<i32>} : memref<8x7x64x64xf32, #tpu.memory_space<vmem>>, vector<1x1x64x64xf32>,
    %slice3A_863 = vector.extract_strided_slice %dot_general3A_829 {offsets = [192, 0], sizes = [64, 257], strides = [1, 1]} : vector<512x257xf32> to vector<64x257xf32>
    %slice3A_864 = vector.extract_strided_slice %concatenate3A_252 {offsets = [192, 0], sizes = [64, 257], strides = [1, 1]} : vector<512x257xf32> to vector<64x257xf32>
    %dot_general3A_865 = arith.constant dense<0.000000e+00> : vector<64x64xf32>
    %dot_general3A_866 = tpu.matmul %slice3A_863, %slice3A_864, %dot_general3A_865 {dimension_numbers = #tpu.dot_dimension_numbers<[1], [1], [0], [0], [0, 0, 1, 0], [], []>, transpose_lhs_hint = false} : vector<64x257xf32>, vector<64x257xf32>, vector<64x64xf32> -> vector<64x64xf32>
    %swap3A_867 = arith.constant 3 : index
    %swap3A_868 = arith.constant 4 : index
    %swap3A_869 = arith.constant 0 : index
    %swap3A_870 = arith.constant 0 : index
    %swap3A_871 = vector.load %arg22[%swap3A_867, %swap3A_868, %swap3A_869, %swap3A_870] : memref<8x7x64x64xf32, #tpu.memory_space<vmem>>, vector<1x1x64x64xf32>
    %swap3A_872 = vector.shape_cast %swap3A_871 : vector<1x1x64x64xf32> to vector<64x64xf32>
    %swap3A_873 = vector.shape_cast %dot_general3A_866 : vector<64x64xf32> to vector<1x1x64x64xf32>
    tpu.vector_store %arg22[%swap3A_867, %swap3A_868, %swap3A_869, %swap3A_870], %swap3A_873 {strides = array<i32>} : memref<8x7x64x64xf32, #tpu.memory_space<vmem>>, vector<1x1x64x64xf32>,
    %slice3A_874 = vector.extract_strided_slice %dot_general3A_829 {offsets = [256, 0], sizes = [64, 257], strides = [1, 1]} : vector<512x257xf32> to vector<64x257xf32>
    %slice3A_875 = vector.extract_strided_slice %concatenate3A_252 {offsets = [256, 0], sizes = [64, 257], strides = [1, 1]} : vector<512x257xf32> to vector<64x257xf32>
    %dot_general3A_876 = arith.constant dense<0.000000e+00> : vector<64x64xf32>
    %dot_general3A_877 = tpu.matmul %slice3A_874, %slice3A_875, %dot_general3A_876 {dimension_numbers = #tpu.dot_dimension_numbers<[1], [1], [0], [0], [0, 0, 1, 0], [], []>, transpose_lhs_hint = false} : vector<64x257xf32>, vector<64x257xf32>, vector<64x64xf32> -> vector<64x64xf32>
    %swap3A_878 = arith.constant 4 : index
    %swap3A_879 = arith.constant 4 : index
    %swap3A_880 = arith.constant 0 : index
    %swap3A_881 = arith.constant 0 : index
    %swap3A_882 = vector.load %arg22[%swap3A_878, %swap3A_879, %swap3A_880, %swap3A_881] : memref<8x7x64x64xf32, #tpu.memory_space<vmem>>, vector<1x1x64x64xf32>
    %swap3A_883 = vector.shape_cast %swap3A_882 : vector<1x1x64x64xf32> to vector<64x64xf32>
    %swap3A_884 = vector.shape_cast %dot_general3A_877 : vector<64x64xf32> to vector<1x1x64x64xf32>
    tpu.vector_store %arg22[%swap3A_878, %swap3A_879, %swap3A_880, %swap3A_881], %swap3A_884 {strides = array<i32>} : memref<8x7x64x64xf32, #tpu.memory_space<vmem>>, vector<1x1x64x64xf32>,
    %slice3A_885 = vector.extract_strided_slice %dot_general3A_829 {offsets = [320, 0], sizes = [64, 257], strides = [1, 1]} : vector<512x257xf32> to vector<64x257xf32>
    %slice3A_886 = vector.extract_strided_slice %concatenate3A_252 {offsets = [320, 0], sizes = [64, 257], strides = [1, 1]} : vector<512x257xf32> to vector<64x257xf32>
    %dot_general3A_887 = arith.constant dense<0.000000e+00> : vector<64x64xf32>
    %dot_general3A_888 = tpu.matmul %slice3A_885, %slice3A_886, %dot_general3A_887 {dimension_numbers = #tpu.dot_dimension_numbers<[1], [1], [0], [0], [0, 0, 1, 0], [], []>, transpose_lhs_hint = false} : vector<64x257xf32>, vector<64x257xf32>, vector<64x64xf32> -> vector<64x64xf32>
    %swap3A_889 = arith.constant 5 : index
    %swap3A_890 = arith.constant 4 : index
    %swap3A_891 = arith.constant 0 : index
    %swap3A_892 = arith.constant 0 : index
    %swap3A_893 = vector.load %arg22[%swap3A_889, %swap3A_890, %swap3A_891, %swap3A_892] : memref<8x7x64x64xf32, #tpu.memory_space<vmem>>, vector<1x1x64x64xf32>
    %swap3A_894 = vector.shape_cast %swap3A_893 : vector<1x1x64x64xf32> to vector<64x64xf32>
    %swap3A_895 = vector.shape_cast %dot_general3A_888 : vector<64x64xf32> to vector<1x1x64x64xf32>
    tpu.vector_store %arg22[%swap3A_889, %swap3A_890, %swap3A_891, %swap3A_892], %swap3A_895 {strides = array<i32>} : memref<8x7x64x64xf32, #tpu.memory_space<vmem>>, vector<1x1x64x64xf32>,
    %slice3A_896 = vector.extract_strided_slice %dot_general3A_829 {offsets = [384, 0], sizes = [64, 257], strides = [1, 1]} : vector<512x257xf32> to vector<64x257xf32>
    %slice3A_897 = vector.extract_strided_slice %concatenate3A_252 {offsets = [384, 0], sizes = [64, 257], strides = [1, 1]} : vector<512x257xf32> to vector<64x257xf32>
    %dot_general3A_898 = arith.constant dense<0.000000e+00> : vector<64x64xf32>
    %dot_general3A_899 = tpu.matmul %slice3A_896, %slice3A_897, %dot_general3A_898 {dimension_numbers = #tpu.dot_dimension_numbers<[1], [1], [0], [0], [0, 0, 1, 0], [], []>, transpose_lhs_hint = false} : vector<64x257xf32>, vector<64x257xf32>, vector<64x64xf32> -> vector<64x64xf32>
    %swap3A_900 = arith.constant 6 : index
    %swap3A_901 = arith.constant 4 : index
    %swap3A_902 = arith.constant 0 : index
    %swap3A_903 = arith.constant 0 : index
    %swap3A_904 = vector.load %arg22[%swap3A_900, %swap3A_901, %swap3A_902, %swap3A_903] : memref<8x7x64x64xf32, #tpu.memory_space<vmem>>, vector<1x1x64x64xf32>
    %swap3A_905 = vector.shape_cast %swap3A_904 : vector<1x1x64x64xf32> to vector<64x64xf32>
    %swap3A_906 = vector.shape_cast %dot_general3A_899 : vector<64x64xf32> to vector<1x1x64x64xf32>
    tpu.vector_store %arg22[%swap3A_900, %swap3A_901, %swap3A_902, %swap3A_903], %swap3A_906 {strides = array<i32>} : memref<8x7x64x64xf32, #tpu.memory_space<vmem>>, vector<1x1x64x64xf32>,
    %slice3A_907 = vector.extract_strided_slice %dot_general3A_829 {offsets = [448, 0], sizes = [64, 257], strides = [1, 1]} : vector<512x257xf32> to vector<64x257xf32>
    %slice3A_908 = vector.extract_strided_slice %concatenate3A_252 {offsets = [448, 0], sizes = [64, 257], strides = [1, 1]} : vector<512x257xf32> to vector<64x257xf32>
    %dot_general3A_909 = arith.constant dense<0.000000e+00> : vector<64x64xf32>
    %dot_general3A_910 = tpu.matmul %slice3A_907, %slice3A_908, %dot_general3A_909 {dimension_numbers = #tpu.dot_dimension_numbers<[1], [1], [0], [0], [0, 0, 1, 0], [], []>, transpose_lhs_hint = false} : vector<64x257xf32>, vector<64x257xf32>, vector<64x64xf32> -> vector<64x64xf32>
    %swap3A_911 = arith.constant 7 : index
    %swap3A_912 = arith.constant 4 : index
    %swap3A_913 = arith.constant 0 : index
    %swap3A_914 = arith.constant 0 : index
    %swap3A_915 = vector.load %arg22[%swap3A_911, %swap3A_912, %swap3A_913, %swap3A_914] : memref<8x7x64x64xf32, #tpu.memory_space<vmem>>, vector<1x1x64x64xf32>
    %swap3A_916 = vector.shape_cast %swap3A_915 : vector<1x1x64x64xf32> to vector<64x64xf32>
    %swap3A_917 = vector.shape_cast %dot_general3A_910 : vector<64x64xf32> to vector<1x1x64x64xf32>
    tpu.vector_store %arg22[%swap3A_911, %swap3A_912, %swap3A_913, %swap3A_914], %swap3A_917 {strides = array<i32>} : memref<8x7x64x64xf32, #tpu.memory_space<vmem>>, vector<1x1x64x64xf32>,
    %get3A_918 = arith.constant 5 : index
    %get3A_919 = arith.constant 0 : index
    %get3A_920 = arith.constant 0 : index
    %get3A_921 = vector.load %arg31[%get3A_918, %get3A_919, %get3A_920] : memref<7x257x257xf32, #tpu.memory_space<vmem>>, vector<1x257x257xf32>
    %get3A_922 = vector.shape_cast %get3A_921 : vector<1x257x257xf32> to vector<257x257xf32>
    %dot_general3A_923 = arith.constant dense<0.000000e+00> : vector<512x257xf32>
    %dot_general3A_924 = tpu.matmul %concatenate3A_251, %get3A_922, %dot_general3A_923 {dimension_numbers = #tpu.dot_dimension_numbers<[1], [0], [0], [1], [0, 0, 1, 1], [], []>, transpose_lhs_hint = false} : vector<512x257xf32>, vector<257x257xf32>, vector<512x257xf32> -> vector<512x257xf32>
    %slice3A_925 = vector.extract_strided_slice %dot_general3A_924 {offsets = [0, 0], sizes = [64, 257], strides = [1, 1]} : vector<512x257xf32> to vector<64x257xf32>
    %slice3A_926 = vector.extract_strided_slice %concatenate3A_252 {offsets = [0, 0], sizes = [64, 257], strides = [1, 1]} : vector<512x257xf32> to vector<64x257xf32>
    %dot_general3A_927 = arith.constant dense<0.000000e+00> : vector<64x64xf32>
    %dot_general3A_928 = tpu.matmul %slice3A_925, %slice3A_926, %dot_general3A_927 {dimension_numbers = #tpu.dot_dimension_numbers<[1], [1], [0], [0], [0, 0, 1, 0], [], []>, transpose_lhs_hint = false} : vector<64x257xf32>, vector<64x257xf32>, vector<64x64xf32> -> vector<64x64xf32>
    %swap3A_929 = arith.constant 0 : index
    %swap3A_930 = arith.constant 5 : index
    %swap3A_931 = arith.constant 0 : index
    %swap3A_932 = arith.constant 0 : index
    %swap3A_933 = vector.load %arg22[%swap3A_929, %swap3A_930, %swap3A_931, %swap3A_932] : memref<8x7x64x64xf32, #tpu.memory_space<vmem>>, vector<1x1x64x64xf32>
    %swap3A_934 = vector.shape_cast %swap3A_933 : vector<1x1x64x64xf32> to vector<64x64xf32>
    %swap3A_935 = vector.shape_cast %dot_general3A_928 : vector<64x64xf32> to vector<1x1x64x64xf32>
    tpu.vector_store %arg22[%swap3A_929, %swap3A_930, %swap3A_931, %swap3A_932], %swap3A_935 {strides = array<i32>} : memref<8x7x64x64xf32, #tpu.memory_space<vmem>>, vector<1x1x64x64xf32>,
    %slice3A_936 = vector.extract_strided_slice %dot_general3A_924 {offsets = [64, 0], sizes = [64, 257], strides = [1, 1]} : vector<512x257xf32> to vector<64x257xf32>
    %slice3A_937 = vector.extract_strided_slice %concatenate3A_252 {offsets = [64, 0], sizes = [64, 257], strides = [1, 1]} : vector<512x257xf32> to vector<64x257xf32>
    %dot_general3A_938 = arith.constant dense<0.000000e+00> : vector<64x64xf32>
    %dot_general3A_939 = tpu.matmul %slice3A_936, %slice3A_937, %dot_general3A_938 {dimension_numbers = #tpu.dot_dimension_numbers<[1], [1], [0], [0], [0, 0, 1, 0], [], []>, transpose_lhs_hint = false} : vector<64x257xf32>, vector<64x257xf32>, vector<64x64xf32> -> vector<64x64xf32>
    %swap3A_940 = arith.constant 1 : index
    %swap3A_941 = arith.constant 5 : index
    %swap3A_942 = arith.constant 0 : index
    %swap3A_943 = arith.constant 0 : index
    %swap3A_944 = vector.load %arg22[%swap3A_940, %swap3A_941, %swap3A_942, %swap3A_943] : memref<8x7x64x64xf32, #tpu.memory_space<vmem>>, vector<1x1x64x64xf32>
    %swap3A_945 = vector.shape_cast %swap3A_944 : vector<1x1x64x64xf32> to vector<64x64xf32>
    %swap3A_946 = vector.shape_cast %dot_general3A_939 : vector<64x64xf32> to vector<1x1x64x64xf32>
    tpu.vector_store %arg22[%swap3A_940, %swap3A_941, %swap3A_942, %swap3A_943], %swap3A_946 {strides = array<i32>} : memref<8x7x64x64xf32, #tpu.memory_space<vmem>>, vector<1x1x64x64xf32>,
    %slice3A_947 = vector.extract_strided_slice %dot_general3A_924 {offsets = [128, 0], sizes = [64, 257], strides = [1, 1]} : vector<512x257xf32> to vector<64x257xf32>
    %slice3A_948 = vector.extract_strided_slice %concatenate3A_252 {offsets = [128, 0], sizes = [64, 257], strides = [1, 1]} : vector<512x257xf32> to vector<64x257xf32>
    %dot_general3A_949 = arith.constant dense<0.000000e+00> : vector<64x64xf32>
    %dot_general3A_950 = tpu.matmul %slice3A_947, %slice3A_948, %dot_general3A_949 {dimension_numbers = #tpu.dot_dimension_numbers<[1], [1], [0], [0], [0, 0, 1, 0], [], []>, transpose_lhs_hint = false} : vector<64x257xf32>, vector<64x257xf32>, vector<64x64xf32> -> vector<64x64xf32>
    %swap3A_951 = arith.constant 2 : index
    %swap3A_952 = arith.constant 5 : index
    %swap3A_953 = arith.constant 0 : index
    %swap3A_954 = arith.constant 0 : index
    %swap3A_955 = vector.load %arg22[%swap3A_951, %swap3A_952, %swap3A_953, %swap3A_954] : memref<8x7x64x64xf32, #tpu.memory_space<vmem>>, vector<1x1x64x64xf32>
    %swap3A_956 = vector.shape_cast %swap3A_955 : vector<1x1x64x64xf32> to vector<64x64xf32>
    %swap3A_957 = vector.shape_cast %dot_general3A_950 : vector<64x64xf32> to vector<1x1x64x64xf32>
    tpu.vector_store %arg22[%swap3A_951, %swap3A_952, %swap3A_953, %swap3A_954], %swap3A_957 {strides = array<i32>} : memref<8x7x64x64xf32, #tpu.memory_space<vmem>>, vector<1x1x64x64xf32>,
    %slice3A_958 = vector.extract_strided_slice %dot_general3A_924 {offsets = [192, 0], sizes = [64, 257], strides = [1, 1]} : vector<512x257xf32> to vector<64x257xf32>
    %slice3A_959 = vector.extract_strided_slice %concatenate3A_252 {offsets = [192, 0], sizes = [64, 257], strides = [1, 1]} : vector<512x257xf32> to vector<64x257xf32>
    %dot_general3A_960 = arith.constant dense<0.000000e+00> : vector<64x64xf32>
    %dot_general3A_961 = tpu.matmul %slice3A_958, %slice3A_959, %dot_general3A_960 {dimension_numbers = #tpu.dot_dimension_numbers<[1], [1], [0], [0], [0, 0, 1, 0], [], []>, transpose_lhs_hint = false} : vector<64x257xf32>, vector<64x257xf32>, vector<64x64xf32> -> vector<64x64xf32>
    %swap3A_962 = arith.constant 3 : index
    %swap3A_963 = arith.constant 5 : index
    %swap3A_964 = arith.constant 0 : index
    %swap3A_965 = arith.constant 0 : index
    %swap3A_966 = vector.load %arg22[%swap3A_962, %swap3A_963, %swap3A_964, %swap3A_965] : memref<8x7x64x64xf32, #tpu.memory_space<vmem>>, vector<1x1x64x64xf32>
    %swap3A_967 = vector.shape_cast %swap3A_966 : vector<1x1x64x64xf32> to vector<64x64xf32>
    %swap3A_968 = vector.shape_cast %dot_general3A_961 : vector<64x64xf32> to vector<1x1x64x64xf32>
    tpu.vector_store %arg22[%swap3A_962, %swap3A_963, %swap3A_964, %swap3A_965], %swap3A_968 {strides = array<i32>} : memref<8x7x64x64xf32, #tpu.memory_space<vmem>>, vector<1x1x64x64xf32>,
    %slice3A_969 = vector.extract_strided_slice %dot_general3A_924 {offsets = [256, 0], sizes = [64, 257], strides = [1, 1]} : vector<512x257xf32> to vector<64x257xf32>
    %slice3A_970 = vector.extract_strided_slice %concatenate3A_252 {offsets = [256, 0], sizes = [64, 257], strides = [1, 1]} : vector<512x257xf32> to vector<64x257xf32>
    %dot_general3A_971 = arith.constant dense<0.000000e+00> : vector<64x64xf32>
    %dot_general3A_972 = tpu.matmul %slice3A_969, %slice3A_970, %dot_general3A_971 {dimension_numbers = #tpu.dot_dimension_numbers<[1], [1], [0], [0], [0, 0, 1, 0], [], []>, transpose_lhs_hint = false} : vector<64x257xf32>, vector<64x257xf32>, vector<64x64xf32> -> vector<64x64xf32>
    %swap3A_973 = arith.constant 4 : index
    %swap3A_974 = arith.constant 5 : index
    %swap3A_975 = arith.constant 0 : index
    %swap3A_976 = arith.constant 0 : index
    %swap3A_977 = vector.load %arg22[%swap3A_973, %swap3A_974, %swap3A_975, %swap3A_976] : memref<8x7x64x64xf32, #tpu.memory_space<vmem>>, vector<1x1x64x64xf32>
    %swap3A_978 = vector.shape_cast %swap3A_977 : vector<1x1x64x64xf32> to vector<64x64xf32>
    %swap3A_979 = vector.shape_cast %dot_general3A_972 : vector<64x64xf32> to vector<1x1x64x64xf32>
    tpu.vector_store %arg22[%swap3A_973, %swap3A_974, %swap3A_975, %swap3A_976], %swap3A_979 {strides = array<i32>} : memref<8x7x64x64xf32, #tpu.memory_space<vmem>>, vector<1x1x64x64xf32>,
    %slice3A_980 = vector.extract_strided_slice %dot_general3A_924 {offsets = [320, 0], sizes = [64, 257], strides = [1, 1]} : vector<512x257xf32> to vector<64x257xf32>
    %slice3A_981 = vector.extract_strided_slice %concatenate3A_252 {offsets = [320, 0], sizes = [64, 257], strides = [1, 1]} : vector<512x257xf32> to vector<64x257xf32>
    %dot_general3A_982 = arith.constant dense<0.000000e+00> : vector<64x64xf32>
    %dot_general3A_983 = tpu.matmul %slice3A_980, %slice3A_981, %dot_general3A_982 {dimension_numbers = #tpu.dot_dimension_numbers<[1], [1], [0], [0], [0, 0, 1, 0], [], []>, transpose_lhs_hint = false} : vector<64x257xf32>, vector<64x257xf32>, vector<64x64xf32> -> vector<64x64xf32>
    %swap3A_984 = arith.constant 5 : index
    %swap3A_985 = arith.constant 5 : index
    %swap3A_986 = arith.constant 0 : index
    %swap3A_987 = arith.constant 0 : index
    %swap3A_988 = vector.load %arg22[%swap3A_984, %swap3A_985, %swap3A_986, %swap3A_987] : memref<8x7x64x64xf32, #tpu.memory_space<vmem>>, vector<1x1x64x64xf32>
    %swap3A_989 = vector.shape_cast %swap3A_988 : vector<1x1x64x64xf32> to vector<64x64xf32>
    %swap3A_990 = vector.shape_cast %dot_general3A_983 : vector<64x64xf32> to vector<1x1x64x64xf32>
    tpu.vector_store %arg22[%swap3A_984, %swap3A_985, %swap3A_986, %swap3A_987], %swap3A_990 {strides = array<i32>} : memref<8x7x64x64xf32, #tpu.memory_space<vmem>>, vector<1x1x64x64xf32>,
    %slice3A_991 = vector.extract_strided_slice %dot_general3A_924 {offsets = [384, 0], sizes = [64, 257], strides = [1, 1]} : vector<512x257xf32> to vector<64x257xf32>
    %slice3A_992 = vector.extract_strided_slice %concatenate3A_252 {offsets = [384, 0], sizes = [64, 257], strides = [1, 1]} : vector<512x257xf32> to vector<64x257xf32>
    %dot_general3A_993 = arith.constant dense<0.000000e+00> : vector<64x64xf32>
    %dot_general3A_994 = tpu.matmul %slice3A_991, %slice3A_992, %dot_general3A_993 {dimension_numbers = #tpu.dot_dimension_numbers<[1], [1], [0], [0], [0, 0, 1, 0], [], []>, transpose_lhs_hint = false} : vector<64x257xf32>, vector<64x257xf32>, vector<64x64xf32> -> vector<64x64xf32>
    %swap3A_995 = arith.constant 6 : index
    %swap3A_996 = arith.constant 5 : index
    %swap3A_997 = arith.constant 0 : index
    %swap3A_998 = arith.constant 0 : index
    %swap3A_999 = vector.load %arg22[%swap3A_995, %swap3A_996, %swap3A_997, %swap3A_998] : memref<8x7x64x64xf32, #tpu.memory_space<vmem>>, vector<1x1x64x64xf32>
    %swap3A_1000 = vector.shape_cast %swap3A_999 : vector<1x1x64x64xf32> to vector<64x64xf32>
    %swap3A_1001 = vector.shape_cast %dot_general3A_994 : vector<64x64xf32> to vector<1x1x64x64xf32>
    tpu.vector_store %arg22[%swap3A_995, %swap3A_996, %swap3A_997, %swap3A_998], %swap3A_1001 {strides = array<i32>} : memref<8x7x64x64xf32, #tpu.memory_space<vmem>>, vector<1x1x64x64xf32>,
    %slice3A_1002 = vector.extract_strided_slice %dot_general3A_924 {offsets = [448, 0], sizes = [64, 257], strides = [1, 1]} : vector<512x257xf32> to vector<64x257xf32>
    %slice3A_1003 = vector.extract_strided_slice %concatenate3A_252 {offsets = [448, 0], sizes = [64, 257], strides = [1, 1]} : vector<512x257xf32> to vector<64x257xf32>
    %dot_general3A_1004 = arith.constant dense<0.000000e+00> : vector<64x64xf32>
    %dot_general3A_1005 = tpu.matmul %slice3A_1002, %slice3A_1003, %dot_general3A_1004 {dimension_numbers = #tpu.dot_dimension_numbers<[1], [1], [0], [0], [0, 0, 1, 0], [], []>, transpose_lhs_hint = false} : vector<64x257xf32>, vector<64x257xf32>, vector<64x64xf32> -> vector<64x64xf32>
    %swap3A_1006 = arith.constant 7 : index
    %swap3A_1007 = arith.constant 5 : index
    %swap3A_1008 = arith.constant 0 : index
    %swap3A_1009 = arith.constant 0 : index
    %swap3A_1010 = vector.load %arg22[%swap3A_1006, %swap3A_1007, %swap3A_1008, %swap3A_1009] : memref<8x7x64x64xf32, #tpu.memory_space<vmem>>, vector<1x1x64x64xf32>
    %swap3A_1011 = vector.shape_cast %swap3A_1010 : vector<1x1x64x64xf32> to vector<64x64xf32>
    %swap3A_1012 = vector.shape_cast %dot_general3A_1005 : vector<64x64xf32> to vector<1x1x64x64xf32>
    tpu.vector_store %arg22[%swap3A_1006, %swap3A_1007, %swap3A_1008, %swap3A_1009], %swap3A_1012 {strides = array<i32>} : memref<8x7x64x64xf32, #tpu.memory_space<vmem>>, vector<1x1x64x64xf32>,
    %get3A_1013 = arith.constant 6 : index
    %get3A_1014 = arith.constant 0 : index
    %get3A_1015 = arith.constant 0 : index
    %get3A_1016 = vector.load %arg31[%get3A_1013, %get3A_1014, %get3A_1015] : memref<7x257x257xf32, #tpu.memory_space<vmem>>, vector<1x257x257xf32>
    %get3A_1017 = vector.shape_cast %get3A_1016 : vector<1x257x257xf32> to vector<257x257xf32>
    %dot_general3A_1018 = arith.constant dense<0.000000e+00> : vector<512x257xf32>
    %dot_general3A_1019 = tpu.matmul %concatenate3A_251, %get3A_1017, %dot_general3A_1018 {dimension_numbers = #tpu.dot_dimension_numbers<[1], [0], [0], [1], [0, 0, 1, 1], [], []>, transpose_lhs_hint = false} : vector<512x257xf32>, vector<257x257xf32>, vector<512x257xf32> -> vector<512x257xf32>
    %slice3A_1020 = vector.extract_strided_slice %dot_general3A_1019 {offsets = [0, 0], sizes = [64, 257], strides = [1, 1]} : vector<512x257xf32> to vector<64x257xf32>
    %slice3A_1021 = vector.extract_strided_slice %concatenate3A_252 {offsets = [0, 0], sizes = [64, 257], strides = [1, 1]} : vector<512x257xf32> to vector<64x257xf32>
    %dot_general3A_1022 = arith.constant dense<0.000000e+00> : vector<64x64xf32>
    %dot_general3A_1023 = tpu.matmul %slice3A_1020, %slice3A_1021, %dot_general3A_1022 {dimension_numbers = #tpu.dot_dimension_numbers<[1], [1], [0], [0], [0, 0, 1, 0], [], []>, transpose_lhs_hint = false} : vector<64x257xf32>, vector<64x257xf32>, vector<64x64xf32> -> vector<64x64xf32>
    %swap3A_1024 = arith.constant 0 : index
    %swap3A_1025 = arith.constant 6 : index
    %swap3A_1026 = arith.constant 0 : index
    %swap3A_1027 = arith.constant 0 : index
    %swap3A_1028 = vector.load %arg22[%swap3A_1024, %swap3A_1025, %swap3A_1026, %swap3A_1027] : memref<8x7x64x64xf32, #tpu.memory_space<vmem>>, vector<1x1x64x64xf32>
    %swap3A_1029 = vector.shape_cast %swap3A_1028 : vector<1x1x64x64xf32> to vector<64x64xf32>
    %swap3A_1030 = vector.shape_cast %dot_general3A_1023 : vector<64x64xf32> to vector<1x1x64x64xf32>
    tpu.vector_store %arg22[%swap3A_1024, %swap3A_1025, %swap3A_1026, %swap3A_1027], %swap3A_1030 {strides = array<i32>} : memref<8x7x64x64xf32, #tpu.memory_space<vmem>>, vector<1x1x64x64xf32>,
    %slice3A_1031 = vector.extract_strided_slice %dot_general3A_1019 {offsets = [64, 0], sizes = [64, 257], strides = [1, 1]} : vector<512x257xf32> to vector<64x257xf32>
    %slice3A_1032 = vector.extract_strided_slice %concatenate3A_252 {offsets = [64, 0], sizes = [64, 257], strides = [1, 1]} : vector<512x257xf32> to vector<64x257xf32>
    %dot_general3A_1033 = arith.constant dense<0.000000e+00> : vector<64x64xf32>
    %dot_general3A_1034 = tpu.matmul %slice3A_1031, %slice3A_1032, %dot_general3A_1033 {dimension_numbers = #tpu.dot_dimension_numbers<[1], [1], [0], [0], [0, 0, 1, 0], [], []>, transpose_lhs_hint = false} : vector<64x257xf32>, vector<64x257xf32>, vector<64x64xf32> -> vector<64x64xf32>
    %swap3A_1035 = arith.constant 1 : index
    %swap3A_1036 = arith.constant 6 : index
    %swap3A_1037 = arith.constant 0 : index
    %swap3A_1038 = arith.constant 0 : index
    %swap3A_1039 = vector.load %arg22[%swap3A_1035, %swap3A_1036, %swap3A_1037, %swap3A_1038] : memref<8x7x64x64xf32, #tpu.memory_space<vmem>>, vector<1x1x64x64xf32>
    %swap3A_1040 = vector.shape_cast %swap3A_1039 : vector<1x1x64x64xf32> to vector<64x64xf32>
    %swap3A_1041 = vector.shape_cast %dot_general3A_1034 : vector<64x64xf32> to vector<1x1x64x64xf32>
    tpu.vector_store %arg22[%swap3A_1035, %swap3A_1036, %swap3A_1037, %swap3A_1038], %swap3A_1041 {strides = array<i32>} : memref<8x7x64x64xf32, #tpu.memory_space<vmem>>, vector<1x1x64x64xf32>,
    %slice3A_1042 = vector.extract_strided_slice %dot_general3A_1019 {offsets = [128, 0], sizes = [64, 257], strides = [1, 1]} : vector<512x257xf32> to vector<64x257xf32>
    %slice3A_1043 = vector.extract_strided_slice %concatenate3A_252 {offsets = [128, 0], sizes = [64, 257], strides = [1, 1]} : vector<512x257xf32> to vector<64x257xf32>
    %dot_general3A_1044 = arith.constant dense<0.000000e+00> : vector<64x64xf32>
    %dot_general3A_1045 = tpu.matmul %slice3A_1042, %slice3A_1043, %dot_general3A_1044 {dimension_numbers = #tpu.dot_dimension_numbers<[1], [1], [0], [0], [0, 0, 1, 0], [], []>, transpose_lhs_hint = false} : vector<64x257xf32>, vector<64x257xf32>, vector<64x64xf32> -> vector<64x64xf32>
    %swap3A_1046 = arith.constant 2 : index
    %swap3A_1047 = arith.constant 6 : index
    %swap3A_1048 = arith.constant 0 : index
    %swap3A_1049 = arith.constant 0 : index
    %swap3A_1050 = vector.load %arg22[%swap3A_1046, %swap3A_1047, %swap3A_1048, %swap3A_1049] : memref<8x7x64x64xf32, #tpu.memory_space<vmem>>, vector<1x1x64x64xf32>
    %swap3A_1051 = vector.shape_cast %swap3A_1050 : vector<1x1x64x64xf32> to vector<64x64xf32>
    %swap3A_1052 = vector.shape_cast %dot_general3A_1045 : vector<64x64xf32> to vector<1x1x64x64xf32>
    tpu.vector_store %arg22[%swap3A_1046, %swap3A_1047, %swap3A_1048, %swap3A_1049], %swap3A_1052 {strides = array<i32>} : memref<8x7x64x64xf32, #tpu.memory_space<vmem>>, vector<1x1x64x64xf32>,
    %slice3A_1053 = vector.extract_strided_slice %dot_general3A_1019 {offsets = [192, 0], sizes = [64, 257], strides = [1, 1]} : vector<512x257xf32> to vector<64x257xf32>
    %slice3A_1054 = vector.extract_strided_slice %concatenate3A_252 {offsets = [192, 0], sizes = [64, 257], strides = [1, 1]} : vector<512x257xf32> to vector<64x257xf32>
    %dot_general3A_1055 = arith.constant dense<0.000000e+00> : vector<64x64xf32>
    %dot_general3A_1056 = tpu.matmul %slice3A_1053, %slice3A_1054, %dot_general3A_1055 {dimension_numbers = #tpu.dot_dimension_numbers<[1], [1], [0], [0], [0, 0, 1, 0], [], []>, transpose_lhs_hint = false} : vector<64x257xf32>, vector<64x257xf32>, vector<64x64xf32> -> vector<64x64xf32>
    %swap3A_1057 = arith.constant 3 : index
    %swap3A_1058 = arith.constant 6 : index
    %swap3A_1059 = arith.constant 0 : index
    %swap3A_1060 = arith.constant 0 : index
    %swap3A_1061 = vector.load %arg22[%swap3A_1057, %swap3A_1058, %swap3A_1059, %swap3A_1060] : memref<8x7x64x64xf32, #tpu.memory_space<vmem>>, vector<1x1x64x64xf32>
    %swap3A_1062 = vector.shape_cast %swap3A_1061 : vector<1x1x64x64xf32> to vector<64x64xf32>
    %swap3A_1063 = vector.shape_cast %dot_general3A_1056 : vector<64x64xf32> to vector<1x1x64x64xf32>
    tpu.vector_store %arg22[%swap3A_1057, %swap3A_1058, %swap3A_1059, %swap3A_1060], %swap3A_1063 {strides = array<i32>} : memref<8x7x64x64xf32, #tpu.memory_space<vmem>>, vector<1x1x64x64xf32>,
    %slice3A_1064 = vector.extract_strided_slice %dot_general3A_1019 {offsets = [256, 0], sizes = [64, 257], strides = [1, 1]} : vector<512x257xf32> to vector<64x257xf32>
    %slice3A_1065 = vector.extract_strided_slice %concatenate3A_252 {offsets = [256, 0], sizes = [64, 257], strides = [1, 1]} : vector<512x257xf32> to vector<64x257xf32>
    %dot_general3A_1066 = arith.constant dense<0.000000e+00> : vector<64x64xf32>
    %dot_general3A_1067 = tpu.matmul %slice3A_1064, %slice3A_1065, %dot_general3A_1066 {dimension_numbers = #tpu.dot_dimension_numbers<[1], [1], [0], [0], [0, 0, 1, 0], [], []>, transpose_lhs_hint = false} : vector<64x257xf32>, vector<64x257xf32>, vector<64x64xf32> -> vector<64x64xf32>
    %swap3A_1068 = arith.constant 4 : index
    %swap3A_1069 = arith.constant 6 : index
    %swap3A_1070 = arith.constant 0 : index
    %swap3A_1071 = arith.constant 0 : index
    %swap3A_1072 = vector.load %arg22[%swap3A_1068, %swap3A_1069, %swap3A_1070, %swap3A_1071] : memref<8x7x64x64xf32, #tpu.memory_space<vmem>>, vector<1x1x64x64xf32>
    %swap3A_1073 = vector.shape_cast %swap3A_1072 : vector<1x1x64x64xf32> to vector<64x64xf32>
    %swap3A_1074 = vector.shape_cast %dot_general3A_1067 : vector<64x64xf32> to vector<1x1x64x64xf32>
    tpu.vector_store %arg22[%swap3A_1068, %swap3A_1069, %swap3A_1070, %swap3A_1071], %swap3A_1074 {strides = array<i32>} : memref<8x7x64x64xf32, #tpu.memory_space<vmem>>, vector<1x1x64x64xf32>,
    %slice3A_1075 = vector.extract_strided_slice %dot_general3A_1019 {offsets = [320, 0], sizes = [64, 257], strides = [1, 1]} : vector<512x257xf32> to vector<64x257xf32>
    %slice3A_1076 = vector.extract_strided_slice %concatenate3A_252 {offsets = [320, 0], sizes = [64, 257], strides = [1, 1]} : vector<512x257xf32> to vector<64x257xf32>
    %dot_general3A_1077 = arith.constant dense<0.000000e+00> : vector<64x64xf32>
    %dot_general3A_1078 = tpu.matmul %slice3A_1075, %slice3A_1076, %dot_general3A_1077 {dimension_numbers = #tpu.dot_dimension_numbers<[1], [1], [0], [0], [0, 0, 1, 0], [], []>, transpose_lhs_hint = false} : vector<64x257xf32>, vector<64x257xf32>, vector<64x64xf32> -> vector<64x64xf32>
    %swap3A_1079 = arith.constant 5 : index
    %swap3A_1080 = arith.constant 6 : index
    %swap3A_1081 = arith.constant 0 : index
    %swap3A_1082 = arith.constant 0 : index
    %swap3A_1083 = vector.load %arg22[%swap3A_1079, %swap3A_1080, %swap3A_1081, %swap3A_1082] : memref<8x7x64x64xf32, #tpu.memory_space<vmem>>, vector<1x1x64x64xf32>
    %swap3A_1084 = vector.shape_cast %swap3A_1083 : vector<1x1x64x64xf32> to vector<64x64xf32>
    %swap3A_1085 = vector.shape_cast %dot_general3A_1078 : vector<64x64xf32> to vector<1x1x64x64xf32>
    tpu.vector_store %arg22[%swap3A_1079, %swap3A_1080, %swap3A_1081, %swap3A_1082], %swap3A_1085 {strides = array<i32>} : memref<8x7x64x64xf32, #tpu.memory_space<vmem>>, vector<1x1x64x64xf32>,
    %slice3A_1086 = vector.extract_strided_slice %dot_general3A_1019 {offsets = [384, 0], sizes = [64, 257], strides = [1, 1]} : vector<512x257xf32> to vector<64x257xf32>
    %slice3A_1087 = vector.extract_strided_slice %concatenate3A_252 {offsets = [384, 0], sizes = [64, 257], strides = [1, 1]} : vector<512x257xf32> to vector<64x257xf32>
    %dot_general3A_1088 = arith.constant dense<0.000000e+00> : vector<64x64xf32>
    %dot_general3A_1089 = tpu.matmul %slice3A_1086, %slice3A_1087, %dot_general3A_1088 {dimension_numbers = #tpu.dot_dimension_numbers<[1], [1], [0], [0], [0, 0, 1, 0], [], []>, transpose_lhs_hint = false} : vector<64x257xf32>, vector<64x257xf32>, vector<64x64xf32> -> vector<64x64xf32>
    %swap3A_1090 = arith.constant 6 : index
    %swap3A_1091 = arith.constant 6 : index
    %swap3A_1092 = arith.constant 0 : index
    %swap3A_1093 = arith.constant 0 : index
    %swap3A_1094 = vector.load %arg22[%swap3A_1090, %swap3A_1091, %swap3A_1092, %swap3A_1093] : memref<8x7x64x64xf32, #tpu.memory_space<vmem>>, vector<1x1x64x64xf32>
    %swap3A_1095 = vector.shape_cast %swap3A_1094 : vector<1x1x64x64xf32> to vector<64x64xf32>
    %swap3A_1096 = vector.shape_cast %dot_general3A_1089 : vector<64x64xf32> to vector<1x1x64x64xf32>
    tpu.vector_store %arg22[%swap3A_1090, %swap3A_1091, %swap3A_1092, %swap3A_1093], %swap3A_1096 {strides = array<i32>} : memref<8x7x64x64xf32, #tpu.memory_space<vmem>>, vector<1x1x64x64xf32>,
    %slice3A_1097 = vector.extract_strided_slice %dot_general3A_1019 {offsets = [448, 0], sizes = [64, 257], strides = [1, 1]} : vector<512x257xf32> to vector<64x257xf32>
    %slice3A_1098 = vector.extract_strided_slice %concatenate3A_252 {offsets = [448, 0], sizes = [64, 257], strides = [1, 1]} : vector<512x257xf32> to vector<64x257xf32>
    %dot_general3A_1099 = arith.constant dense<0.000000e+00> : vector<64x64xf32>
    %dot_general3A_1100 = tpu.matmul %slice3A_1097, %slice3A_1098, %dot_general3A_1099 {dimension_numbers = #tpu.dot_dimension_numbers<[1], [1], [0], [0], [0, 0, 1, 0], [], []>, transpose_lhs_hint = false} : vector<64x257xf32>, vector<64x257xf32>, vector<64x64xf32> -> vector<64x64xf32>
    %swap3A_1101 = arith.constant 7 : index
    %swap3A_1102 = arith.constant 6 : index
    %swap3A_1103 = arith.constant 0 : index
    %swap3A_1104 = arith.constant 0 : index
    %swap3A_1105 = vector.load %arg22[%swap3A_1101, %swap3A_1102, %swap3A_1103, %swap3A_1104] : memref<8x7x64x64xf32, #tpu.memory_space<vmem>>, vector<1x1x64x64xf32>
    %swap3A_1106 = vector.shape_cast %swap3A_1105 : vector<1x1x64x64xf32> to vector<64x64xf32>
    %swap3A_1107 = vector.shape_cast %dot_general3A_1100 : vector<64x64xf32> to vector<1x1x64x64xf32>
    tpu.vector_store %arg22[%swap3A_1101, %swap3A_1102, %swap3A_1103, %swap3A_1104], %swap3A_1107 {strides = array<i32>} : memref<8x7x64x64xf32, #tpu.memory_space<vmem>>, vector<1x1x64x64xf32>,
    tpu.wait_dma2 semaphore(%arg41 : memref<!tpu.dma_semaphore, #tpu.memory_space<semaphore_mem>>) src(%arg32 : memref<8x31x64x64xf32, #tpu.memory_space<vmem>>) dst(%arg23 : memref<8x31x64x64xf32, #tpu.memory_space<hbm>>)
    return
  }
  func.func @transform_0(%arg0: i32) -> (i32, i32, i32) {
    %c0_i32 = arith.constant 0 : i32
    %c0_i32_0 = arith.constant 0 : i32
    %c0_i32_1 = arith.constant 0 : i32
    %c0_i32_2 = arith.constant 0 : i32
    return %c0_i32, %c0_i32_0, %c0_i32_1 : i32, i32, i32
  }
  func.func @transform_1(%arg0: i32) -> (i32, i32) {
    %c0_i32 = arith.constant 0 : i32
    %c0_i32_0 = arith.constant 0 : i32
    %c0_i32_1 = arith.constant 0 : i32
    return %c0_i32, %c0_i32_0 : i32, i32
  }
  func.func @transform_2(%arg0: i32) -> (i32, i32, i32) {
    %c0_i32 = arith.constant 0 : i32
    %c0_i32_0 = arith.constant 0 : i32
    %c0_i32_1 = arith.constant 0 : i32
    %c0_i32_2 = arith.constant 0 : i32
    return %c0_i32, %c0_i32_0, %c0_i32_1 : i32, i32, i32
  }
  func.func @transform_3(%arg0: i32) -> (i32, i32) {
    %c0_i32 = arith.constant 0 : i32
    %c0_i32_0 = arith.constant 0 : i32
    %c0_i32_1 = arith.constant 0 : i32
    return %c0_i32, %c0_i32_0 : i32, i32
  }
  func.func @transform_4(%arg0: i32) -> (i32, i32) {
    %c0_i32 = arith.constant 0 : i32
    %c0_i32_0 = arith.constant 0 : i32
    %c0_i32_1 = arith.constant 0 : i32
    return %c0_i32, %c0_i32_0 : i32, i32
  }
  func.func @transform_5(%arg0: i32) -> (i32, i32) {
    %c0_i32 = arith.constant 0 : i32
    %c0_i32_0 = arith.constant 0 : i32
    %c0_i32_1 = arith.constant 0 : i32
    return %c0_i32, %c0_i32_0 : i32, i32
  }
  func.func @transform_6(%arg0: i32) -> (i32, i32) {
    %c0_i32 = arith.constant 0 : i32
    %c0_i32_0 = arith.constant 0 : i32
    %c0_i32_1 = arith.constant 0 : i32
    return %c0_i32, %c0_i32_0 : i32, i32
  }
  func.func @transform_7(%arg0: i32) -> (i32, i32) {
    %c0_i32 = arith.constant 0 : i32
    %c0_i32_0 = arith.constant 0 : i32
    %c0_i32_1 = arith.constant 0 : i32
    return %c0_i32, %c0_i32_0 : i32, i32
  }
  func.func @transform_8(%arg0: i32) -> (i32, i32) {
    %c0_i32 = arith.constant 0 : i32
    %c0_i32_0 = arith.constant 0 : i32
    %c0_i32_1 = arith.constant 0 : i32
    return %c0_i32, %c0_i32_0 : i32, i32
  }
  func.func @transform_9(%arg0: i32) -> (i32, i32) {
    %c0_i32 = arith.constant 0 : i32
    %c0_i32_0 = arith.constant 0 : i32
    %c0_i32_1 = arith.constant 0 : i32
    return %c0_i32, %c0_i32_0 : i32, i32
  }
  func.func @transform_10(%arg0: i32) -> (i32, i32) {
    %c0_i32 = arith.constant 0 : i32
    %c0_i32_0 = arith.constant 0 : i32
    %c0_i32_1 = arith.constant 0 : i32
    return %c0_i32, %c0_i32_0 : i32, i32
  }
  func.func @transform_11(%arg0: i32) -> (i32, i32) {
    %c0_i32 = arith.constant 0 : i32
    %c0_i32_0 = arith.constant 0 : i32
    %c0_i32_1 = arith.constant 0 : i32
    return %c0_i32, %c0_i32_0 : i32, i32
  }
  func.func @transform_20(%arg0: i32) -> (i32, i32, i32, i32) {
    %c0_i32 = arith.constant 0 : i32
    %c0_i32_0 = arith.constant 0 : i32
    %c0_i32_1 = arith.constant 0 : i32
    %c0_i32_2 = arith.constant 0 : i32
    %c0_i32_3 = arith.constant 0 : i32
    return %c0_i32, %c0_i32_0, %c0_i32_1, %c0_i32_2 : i32, i32, i32, i32
  }
  func.func @transform_21(%arg0: i32) -> (i32, i32, i32, i32) {
    %c0_i32 = arith.constant 0 : i32
    %c0_i32_0 = arith.constant 0 : i32
    %c0_i32_1 = arith.constant 0 : i32
    %c0_i32_2 = arith.constant 0 : i32
    %c0_i32_3 = arith.constant 0 : i32
    return %c0_i32, %c0_i32_0, %c0_i32_1, %c0_i32_2 : i32, i32, i32, i32
  }
}

</mosaic_0001>

<sc_bundles>
// kernel: kernel.4.cloned.1.call-start
scs
__scs_entry_jumppad:
0x0: {  	(pc) =	sbr.rel $0x88, $3  }
0x1: {  	(tag) =	ssettag $0x0;
	lr =	simm.s32 $0x1  }
0x2: {  	[smem:$0x3F8C] =	sst lr;
	_ =	strace $0xD0000000  }
0x3: {  	_ = 	snop  }
0x4: {  	_ = 	snop  }
0x5: {  	_ = 	snop  }
0x6: {  	_ = 	snop  }
0x7: {  	_ = 	snop  }
__scs_overlays_trampoline_lowered:
0x8: {  	[smem:$0x3F9B] =	sst s0  }
0x9: {  	[smem:$0x3F9C] =	sst s1  }
0xa: {  	[smem:$0x3F9D] =	sst s2  }
0xb: {  	[smem:$0x3F9E] =	sst s3  }
0xc: {  	[smem:$0x3F9F] =	sst s4  }
0xd: {  	[smem:$0x3FA0] =	sst s5  }
0xe: {  	[smem:$0x3FA1] =	sst s6  }
0xf: {  	[smem:$0x3FA2] =	sst s7  }
0x10: {  	[smem:$0x3FA3] =	sst s8  }
0x11: {  	[smem:$0x3FA4] =	sst s9;
	s0 =	simm.s32 @!p0 $0x0  }
0x12: {  	s1 =	sld [smem:$0x3F8A];
	s0 =	simm.s32 @p0 $0x1  }
0x13: {  	[smem:$0x3FA5] =	sst s0;
	s0 =	simm.s32 @!p1 $0x0  }
0x14: {  	s2 =	sld [smem:$0x3F89];
	s0 =	simm.s32 @p1 $0x1  }
0x15: {  	[smem:$0x3FA6] =	sst s0;
	s0 =	simm.s32 @!p2 $0x0  }
0x16: {  	s3 =	sld [smem:$0x3FDB];
	s0 =	simm.s32 @p2 $0x1  }
0x17: {  	s4 =	simm.s32 $0x1BF5;
	[smem:$0x3FA8] =	sst s0  }
0x18: {  	s0 =	sld [smem:$0x3F8B];
	_ =	swait.ge [sflag:s4], $0x0  }
0x19: {  	s7 =	sld [smem:$0x3F8C]  }
0x1a: {  	s8 =	sadd.s32 $0xFFFFE003, lr  }
0x1b: {  	s9 =	sadd.s32 $0xFFFFFEF7, lr;
	s5 =	simm.s32 $0xFFFFFFFF;
	p2 =	slt.u32 s8, $0xFFFFF086  }
0x1c: {  	p1 =	slt.u32 s9, $0xF7A;
	s5 =	simm.s32 @!p2 $0x0  }
0x1d: {  	s5 =	simm.s32 @p1 $0x1;
	p0 =	seq.s32 s7, s2  }
0x1e: {  	s7 =	smul.u32 @!p0 $0xF7A, s2;
	p2 =	seq.s32 @!p0 s5, $0x0  }
0x1f: {  	s9 =	smul.u32 $0xF7A, s1;
	s8 =	simm.s32 @!p0 $0x1BF5;
	p2 =	por !p2, p0  }
0x20: {  	[sflag:s8] =	ssyncset.s32 @!p0 $0xFFFFF086;
	s6 =	sadd.s32 @!p0 s3, s7;
	s7 =	simm.s32 @!p0 $0x108  }
0x21: {  	s3 =	sadd.s32 s3, s9;
	s6 =	sadd.s32 @!p0 $0x88, s6;
	s7 =	simm.s32 @p2 $0x1082  }
0x22: {  	[simem:s7], [sflag:s8] =	dma.local @!p0 [hbm:s6], $0xF7A  }
0x23: {  	s9 =	sor.u32 $0xD0000000, s2;
	s6 =	simm.s32 $0x108;
	_ =	swait.ge @!p0 [sflag:s8], $0x0  }
0x24: {  	s3 =	sadd.s32 $0x88, s3;
	s6 =	simm.s32 @!p1 $0x1082;
	[sflag:s4] =	ssyncset.s32 $0xFFFFF086  }
0x25: {  	[simem:s6], [sflag:s4] =	dma.local [hbm:s3], $0xF7A  }
0x26: {  	[smem:$0x3F8C] =	sst s1;
	(tag) =	ssettag s2;
	_ =	strace s9  }
0x27: {  	s1 =	sld [smem:$0x3F9C]  }
0x28: {  	s2 =	sld [smem:$0x3F9D]  }
0x29: {  	s4 =	sld [smem:$0x3F9F]  }
0x2a: {  	p0 =	seq.s32 s5, $0x0;
	s5 =	sld [smem:$0x3FA0]  }
0x2b: {  	s6 =	sld [smem:$0x3FA1]  }
0x2c: {  	s7 =	sld [smem:$0x3FA2]  }
0x2d: {  	s3 =	simm.s32 $0x108;
	s8 =	sld [smem:$0x3FA3]  }
0x2e: {  	s3 =	simm.s32 @!p0 $0x1082;
	s9 =	sld [smem:$0x3FA4]  }
0x2f: {  	lr =	sadd.s32 s0, s3;
	s0 =	sld [smem:$0x3F9B]  }
0x30: {  	s3 =	sld [smem:$0x3F9E]  }
0x31: {  	[smem:$0x3FA7] =	sst s10  }
0x32: {  	s10 =	sld [smem:$0x3FA5];
	_ =	sdelay $0x3  }
0x33: {  	p0 =	seq.s32 s10, $0x1;
	s10 =	sld [smem:$0x3FA7];
	_ =	sdelay $0x3  }
0x34: {  	[smem:$0x3FA7] =	sst s10  }
0x35: {  	s10 =	sld [smem:$0x3FA6];
	_ =	sdelay $0x3  }
0x36: {  	p1 =	seq.s32 s10, $0x1;
	s10 =	sld [smem:$0x3FA7];
	_ =	sdelay $0x3  }
0x37: {  	[smem:$0x3FA7] =	sst s10  }
0x38: {  	s10 =	sld [smem:$0x3FA8]  }
0x39: {  	_ = 	snop;
	(pc) =	sbr.ind lr, $3  }
0x3a: {  	_ = 	snop  }
0x3b: {  	_ = 	snop  }
0x3c: {  	p2 =	seq.s32 s10, $0x1;
	s10 =	sld [smem:$0x3FA7]  }
0x3d: {  	_ =	shalt  }
0x3e: {  	_ =	shalt  }
0x3f: {  	_ =	shalt  }
0x40: {  	_ =	shalt  }
0x41: {  	_ =	shalt  }
0x42: {  	_ =	shalt  }
0x43: {  	_ =	shalt  }
0x44: {  	_ =	shalt  }
0x45: {  	_ =	shalt  }
0x46: {  	_ =	shalt  }
0x47: {  	_ =	shalt  }
0x48: {  	_ =	shalt  }
0x49: {  	_ =	shalt  }
0x4a: {  	_ =	shalt  }
0x4b: {  	_ =	shalt  }
0x4c: {  	_ =	shalt  }
0x4d: {  	_ =	shalt  }
0x4e: {  	_ =	shalt  }
0x4f: {  	_ =	shalt  }
0x50: {  	_ =	shalt  }
0x51: {  	_ =	shalt  }
0x52: {  	_ =	shalt  }
0x53: {  	_ =	shalt  }
0x54: {  	_ =	shalt  }
0x55: {  	_ =	shalt  }
0x56: {  	_ =	shalt  }
0x57: {  	_ =	shalt  }
0x58: {  	_ =	shalt  }
0x59: {  	_ =	shalt  }
0x5a: {  	_ =	shalt  }
0x5b: {  	_ =	shalt  }
0x5c: {  	_ =	shalt  }
0x5d: {  	_ =	shalt  }
0x5e: {  	_ =	shalt  }
0x5f: {  	_ =	shalt  }
0x60: {  	_ =	shalt  }
0x61: {  	_ =	shalt  }
0x62: {  	_ =	shalt  }
0x63: {  	_ =	shalt  }
0x64: {  	_ =	shalt  }
0x65: {  	_ =	shalt  }
0x66: {  	_ =	shalt  }
0x67: {  	_ =	shalt  }
0x68: {  	_ =	shalt  }
0x69: {  	_ =	shalt  }
0x6a: {  	_ =	shalt  }
0x6b: {  	_ =	shalt  }
0x6c: {  	_ =	shalt  }
0x6d: {  	_ =	shalt  }
0x6e: {  	_ =	shalt  }
0x6f: {  	_ =	shalt  }
0x70: {  	_ =	shalt  }
0x71: {  	_ =	shalt  }
0x72: {  	_ =	shalt  }
0x73: {  	_ =	shalt  }
0x74: {  	_ =	shalt  }
0x75: {  	_ =	shalt  }
0x76: {  	_ =	shalt  }
0x77: {  	_ =	shalt  }
0x78: {  	_ =	shalt  }
0x79: {  	_ =	shalt  }
0x7a: {  	_ =	shalt  }
0x7b: {  	_ =	shalt  }
0x7c: {  	_ =	shalt  }
0x7d: {  	_ =	shalt  }
0x7e: {  	_ =	shalt  }
0x7f: {  	_ =	shalt  }
0x80: {  	_ =	shalt  }
0x81: {  	_ =	shalt  }
0x82: {  	_ =	shalt  }
0x83: {  	_ =	shalt  }
0x84: {  	_ =	shalt  }
0x85: {  	_ =	shalt  }
0x86: {  	_ =	shalt  }
0x87: {  	_ =	shalt  }
.Lfunc_end0:
.L_simem_size_0:
called_computation_lowered:
.L_overlay_start_0:
0x88: {  	s2 =	sld [smem:$0x3FD9]  }
0x89: {  	s3 =	sld [smem:$0x3FFE];
	_ =	sdelay $0x1  }
0x8a: {  	s1 =	srdreg.scid  }
0x8b: {  	s0 =	sand.u32 $0x1, s1  }
0x8c: {  	s15 =	sshll.u32 s0, $0xA;
	s2 =	sadd.s32 s3, s2  }
0x8d: {  	s2 =	sadd.s32 s2, s15  }
0x8e: {  	[smem:$0x3FB3] =	sst s2  }
0x8f: {  	_ = 	snop  }
0x90: {  	s2 =	sld [smem:$0x3FD0];
	_ =	sdelay $0x2  }
0x91: {  	s4 =	simm.s32 $0xA;
	s5 =	simm.s32 $0x10;
	s16 =	sld [smem:$0x3FC6]  }
0x92: {  	[smem:s5], [sflag:s4] =	dma.local [hbm:s2], $0x1  }
0x93: {  	_ =	swait.eq [sflag:s4], $0x1  }
0x94: {  	[sflag:s4] =	ssyncset.done $0x0  }
0x95: {  	s17 =	sld [smem:$0x10];
	[sflag:s4] =	ssyncadd.s32 $0xFFFFFFFF  }
0x96: {  	s18 =	sld [smem:$0x12];
	(tm) =	ssettm $0x1  }
0x97: {  	s19 =	sld [smem:$0x3FFB];
	_ =	sdelay $0x3  }
0x98: {  	_ =	strace s19  }
0x99: {  	s5 =	sld [smem:$0x3FFC];
	_ =	sdelay $0x3  }
0x9a: {  	_ =	strace s5  }
0x9b: {  	s5 =	sld [smem:$0x3FFD];
	_ =	sdelay $0x3  }
0x9c: {  	_ =	strace s5  }
0x9d: {  	_ =	strace $0x8FFFFFFF  }
0x9e: {  	s20 =	sld [smem:$0x3FDB];
	_ =	sdelay $0x1  }
0x9f: {  	s6 =	simm.s32 $_scs_section_size  }
0xa0: {  	s7 =	simm.s32 $_size__tile_overlayer_lowered;
	s8 =	simm.s32 $_tile_overlayer_lowered  }
0xa1: {  	s23 =	simm.s32 $0x1BFF;
	s22 =	sshll.u32 s8, $0x1;
	s5 =	sadd.s32 s6, s20  }
0xa2: {  	s9 =	simm.s32 $0x0;
	s21 =	sshll.u32 s7, $0x1;
	s7 =	sadd.s32 s22, s5  }
0xa3: {  	[timem:s9], [sflag:s23] =	dma.local [hbm:s7], s21  }
0xa4: {  	_ =	swait.ge [sflag:s23], s21  }
0xa5: {  	s6 =	ssub.s32 $0x0, s21;
	[sflag:s23] =	ssyncset.done $0x0  }
0xa6: {  	[sflag:s23] =	ssyncadd.s32 s6;
	_ =	sdelay $0x1  }
0xa7: {  	s24 =	simm.s32 $0x1B8B  }
0xa8: {  	_ =	swait.ge [sflag:s24], $0x1  }
0xa9: {  	[sflag:s24] =	ssyncset.done $0x0  }
0xaa: {  	s25 =	simm.s32 $0x1B8E;
	[sflag:s24] =	ssyncadd.s32 $0xFFFFFFFF  }
0xab: {  	s26 =	simm.s32 $execute0_lowered;
	[smem:$0x3FD2] =	sst s25  }
0xac: {  	s6 =	sshll.u32 s26, $0x1;
	_ =	strace $0x80000046;
	[dreg:$0x1] =	wrdreg $0xFFFFFFFF  }
0xad: {  	s28 =	simm.s32 $_size_execute0_lowered;
	s5 =	sadd.s32 s5, s6;
	[dreg:$0x0] =	wrdreg $0x0  }
0xae: {  	s6 =	sshll.u32 s28, $0x1;
	[dreg:$0x2] =	wrdreg s5  }
0xaf: {  	[dreg:$0x3] =	wrdreg s6  }
0xb0: {  	[dreg:$0x4] =	wrdreg $0xC0  }
0xb1: {  	_ =	task [dreg:s9], $0x5FFFF  }
0xb2: {  	[dreg:$0x1] =	wrdreg $0xFFFFFFFF  }
0xb3: {  	[dreg:$0x0] =	wrdreg $0x60  }
0xb4: {  	[dreg:$0x2] =	wrdreg s16  }
0xb5: {  	[dreg:$0x3] =	wrdreg s17  }
0xb6: {  	[dreg:$0x4] =	wrdreg s18  }
0xb7: {  	[dreg:$0x5] =	wrdreg $0x9  }
0xb8: {  	_ =	task.clear_ibuf [dreg:s9], $0x6FFFF;
	_ =	strace $0x90000046  }
0xb9: {  	s29 =	simm.s32 $0x9;
	_ =	strace $0x80000048  }
0xba: {  	_ =	swait.ge [sflag:s29], $0x1  }
0xbb: {  	[sflag:s29] =	ssyncadd.s32 $0xFFFFFFFF  }
0xbc: {  	_ =	strace $0x90000048  }
0xbd: {  	_ =	sfence  }
0xbe: {  	s30 =	sld [smem:$0x0];
	_ =	sdelay $0x2  }
0xbf: {  	s31 =	sshll.u32 s1, $0xD;
	s1 =	sshrl.u32 s1, $0x2  }
0xc0: {  	s3 =	sand.u32 $0x4000, s31;
	s1 =	sadd.s32 s1, s30  }
0xc1: {  	s0 =	sor.u32 s3, s0;
	s1 =	sshll.u32 s1, $0x11  }
0xc2: {  	s0 =	sor.u32 s1, s0  }
0xc3: {  	s0 =	sadd.s32 $0x8F2B, s0  }
0xc4: {  	[sflag:s0] =	ssyncadd.remote.s32 $0x1  }
0xc5: {  	_ =	sfence.sel $0xFFFF  }
0xc6: {  	[dreg:$0x0] =	wrdreg $0xFFFFFFFF;
	(pc) =	sbr.abs _section_cstart, $3  }
0xc7: {  	[dreg:$0x1] =	wrdreg $0xFFFFFFFF  }
0xc8: {  	_ =	task.clear_ibuf [dreg:s9], $0x2FFFF;
	_ =	strace $0x9FFFFFFF  }
0xc9: {  	(tm) =	ssettm $0x7FFFFFFF  }
tec
execute0_lowered:
.L_overlay_start_1:
0x0: {  	(tag) =	ssettag $0x1  }
0x1: {  	s2 =	rddreg [dreg:$0x0]  }
0x2: {  	s4 =	rddreg [dreg:$0x1];
	s0 =	srdreg.scid  }
0x3: {  	s7 =	rddreg [dreg:$0x2];
	s1 =	stileid.u32;
	s3 =	simm.s32 $0x0  }
0x4: {  	s10 =	simm.s32 $0x80;
	s11 =	simm.s32 $0x880;
	s12 =	simm.s32 $0x1080  }
0x5: {  	s13 =	simm.s32 $0x1880;
	s14 =	simm.s32 $0x2080;
	s15 =	simm.s32 $0x2880  }
0x6: {  	s16 =	simm.s32 $0x3080;
	s17 =	simm.s32 $0x3880;
	s18 =	simm.s32 $0x4080  }
0x7: {  	s19 =	simm.s32 $0x4880;
	s20 =	simm.s32 $0x5080;
	s21 =	simm.s32 $0x5880  }
0x8: {  	s22 =	simm.s32 $0x1;
	s5 =	sand.u32 $0x1, s0;
	s0 =	rddreg [dreg:$0x3]  }
0x9: {  	s6 =	sshll.u32 s1, $0x3;
	s8 =	sshll.u32 s5, $0x2;
	s5 =	ssub.s32 $0x2, s5  }
0xa: {  	[smem:$0x7FF] =	sst s3;
	s6 =	sor.u32 s8, s6;
	s31 =	sshrl.u32 s5, $0x1  }
0xb: {  	v2 =	vlaneseq.u32;
	_ =	strace $0x80000047;
	s9 =	smul.u32 $0x300, s6;
	s8 =	ssub.s32 s5, s31  }
0xc: {  	vm0 =	vmmov $0xffff;
	v1 =	vshrl.u32 v2, $0x3;
	s4 =	sadd.s32 s4, s6;
	s5 =	sadd.s32 $0x100, s2;
	s6 =	sadd.s32 $0x200, s2  }
0xd: {  	v0 =	vand.u32 $0x7, v2;
	v2 =	vor.u32 $0x8, v2;
	v1 =	vmul.u32 $0x8, v1;
	s8 =	smax.u32 s8, $0x1;
	s7 =	sadd.s32 s7, s9;
	s9 =	simm.s32 $0x2  }
.LBB2_1:
0xe: {  	[tilespmem:s3], [sflag:$0x2] =	stream.linear.gather [hbm4b:s4+s3], $0x20, $0x38;
	[tilespmem:$0x6080] =	vst v63  }
0xf: {  	_ =	swait.ge [sflag:s9], $0x20  }
0x10: {  	[sflag:s9] =	ssyncset.done $0x0  }
0x11: {  	[sflag:s9] =	ssyncadd.s32 $0xFFFFFFE0  }
0x12: {  	v3 =	vld [tilespmem:$0x0];
	_ =	sdelay $0x4  }
0x13: {  	v4 =	vshrl.u32 v3, $0x3  }
0x14: {  	v4 =	vmul.u32 $0x30, v4  }
0x15: {  	v3 =	vand.u32 $0x7, v3  }
0x16: {  	v3 =	vor.u32 v3, v4  }
0x17: {  	v4 =	vperm.xlane v3, v0;
	_ =	sdelay $0x1  }
0x18: {  	v4 =	vadd.s32 v1, v4;
	_ =	sdelay $0x3  }
0x19: {  	v3 =	vperm.xlane v3, v2  }
0x1a: {  	[tilespmem:s10], [sflag:$0x1] =	stream.indirect_vreg.gather [hbm4b:s2+s3], $0x80, v4, vm0, $0xb8;
	[tilespmem:$0x6080] =	vst v63  }
0x1b: {  	v3 =	vadd.s32 v1, v3  }
0x1c: {  	[tilespmem:s11], [sflag:$0x1] =	stream.indirect_vreg.gather [hbm4b:s5+s3], $0x80, v4, vm0, $0xb8;
	[tilespmem:$0x6080] =	vst v63  }
0x1d: {  	_ = 	snop  }
0x1e: {  	[tilespmem:s12], [sflag:$0x1] =	stream.indirect_vreg.gather [hbm4b:s6+s3], $0x80, v4, vm0, $0xb8;
	[tilespmem:$0x6080] =	vst v63  }
0x1f: {  	_ = 	snop  }
0x20: {  	[tilespmem:s13], [sflag:$0x1] =	stream.indirect_vreg.gather [hbm4b:s2+s3], $0x80, v3, vm0, $0xb8;
	[tilespmem:$0x6080] =	vst v63  }
0x21: {  	_ = 	snop  }
0x22: {  	[tilespmem:s14], [sflag:$0x1] =	stream.indirect_vreg.gather [hbm4b:s5+s3], $0x80, v3, vm0, $0xb8;
	[tilespmem:$0x6080] =	vst v63  }
0x23: {  	_ = 	snop  }
0x24: {  	[tilespmem:s15], [sflag:$0x1] =	stream.indirect_vreg.gather [hbm4b:s6+s3], $0x80, v3, vm0, $0xb8;
	[tilespmem:$0x6080] =	vst v63  }
0x25: {  	v3 =	vld [tilespmem:$0x10];
	_ =	sdelay $0x4  }
0x26: {  	v63 =	vshrl.u32 v3, $0x3  }
0x27: {  	v4 =	vmul.u32 $0x30, v63  }
0x28: {  	v3 =	vand.u32 $0x7, v3  }
0x29: {  	v3 =	vor.u32 v3, v4  }
0x2a: {  	v4 =	vperm.xlane v3, v0;
	_ =	sdelay $0x1  }
0x2b: {  	v4 =	vadd.s32 v1, v4;
	_ =	sdelay $0x3  }
0x2c: {  	v3 =	vperm.xlane v3, v2  }
0x2d: {  	[tilespmem:s16], [sflag:$0x1] =	stream.indirect_vreg.gather [hbm4b:s2+s3], $0x80, v4, vm0, $0xb8;
	[tilespmem:$0x6080] =	vst v63  }
0x2e: {  	v3 =	vadd.s32 v1, v3  }
0x2f: {  	[tilespmem:s17], [sflag:$0x1] =	stream.indirect_vreg.gather [hbm4b:s5+s3], $0x80, v4, vm0, $0xb8;
	[tilespmem:$0x6080] =	vst v63  }
0x30: {  	_ = 	snop  }
0x31: {  	[tilespmem:s18], [sflag:$0x1] =	stream.indirect_vreg.gather [hbm4b:s6+s3], $0x80, v4, vm0, $0xb8;
	[tilespmem:$0x6080] =	vst v63  }
0x32: {  	_ = 	snop  }
0x33: {  	[tilespmem:s19], [sflag:$0x1] =	stream.indirect_vreg.gather [hbm4b:s2+s3], $0x80, v3, vm0, $0xb8;
	[tilespmem:$0x6080] =	vst v63  }
0x34: {  	_ = 	snop  }
0x35: {  	[tilespmem:s20], [sflag:$0x1] =	stream.indirect_vreg.gather [hbm4b:s5+s3], $0x80, v3, vm0, $0xb8;
	[tilespmem:$0x6080] =	vst v63  }
0x36: {  	_ = 	snop  }
0x37: {  	[tilespmem:s21], [sflag:$0x1] =	stream.indirect_vreg.gather [hbm4b:s6+s3], $0x80, v3, vm0, $0xb8;
	[tilespmem:$0x6080] =	vst v63  }
0x38: {  	_ =	swait.ge [sflag:s22], $0x6000  }
0x39: {  	p0 =	sne.s32 s8, $0x1;
	[sflag:s22] =	ssyncset.done $0x0  }
.Ltmp0:
0x3a: {  	[sflag:s22] =	ssyncadd.s32 $0xFFFFA000;
	(pc) =	sbr.rel @p0 .LBB2_1-.Ltmp0, $4  }
0x3b: {  	[hbm4b:s7+s3] =	stream.linear.scatter [tilespmem:s10], [sflag:$0x2], $0x6000, $0x38;
	[tilespmem:$0x6080] =	vst v63  }
0x3c: {  	_ =	swait.ge [sflag:s9], $0x6000  }
0x3d: {  	[sflag:s9] =	ssyncset.done $0x0  }
0x3e: {  	s8 =	sadd.s32 $0xFFFFFFFF, s8;
	[sflag:s9] =	ssyncadd.s32 $0xFFFFA000  }
0x3f: {  	_ =	sfence.sel $0x180000  }
0x40: {  	[bflag:$0x0] =	sbarrier.arrive $0xFFFF  }
0x41: {  	p0 =	sne.s32 s1, $0x0;
	_ =	strace $0x90000047  }
0x42: {  	s0 =	sadd.s32 @!p0 $0x100000, s0;
	[bflag:$0x2] =	sbarrier.arrive $0xFFFF  }
0x43: {  	[sflag:s0] =	ssyncadd.tile.s32 @!p0 $0x1;
	_ =	shalt  }
.Lfunc_end2:
_tile_overlayer_lowered:
.L_overlay_start_2:
0x44: {  	(tag) =	ssettag $0x2  }
0x45: {  	s0 =	rddreg [dreg:$0x0];
	s2 =	stileid.u32  }
0x46: {  	s1 =	rddreg [dreg:$0x1];
	p0 =	sne.s32 s2, $0x0  }
0x47: {  	s3 =	rddreg [dreg:$0x2];
	[bflag:$0x3] =	sbarrier.arrive $0xFFFF;
	s2 =	simm.s32 @!p0 $0x1C02  }
0x48: {  	[timem:s3], [sflag:s2] =	dma.local @!p0 [hbm:s0], s1  }
0x49: {  	s0 =	simm.s32 @!p0 $0x2  }
0x4a: {  	_ =	swait.ge @!p0 [sflag:s0], s1  }
0x4b: {  	s1 =	ssub.s32 @!p0 $0x0, s1;
	[sflag:s0] =	ssyncset.done @!p0 $0x0  }
0x4c: {  	[sflag:s0] =	ssyncadd.s32 @!p0 s1  }
0x4d: {  	[bflag:$0x3] =	sbarrier.arrive $0xFFFF  }
0x4e: {  	_ =	shalt  }

</sc_bundles>
